<compile_context>
chip_gen: v7x
topology: tpu7x:2x2x1
jax: 0.10.2.dev20260603
libtpu: 0.0.44.dev20260713+nightly
codegen_flags: <defaults>
</compile_context>

<pallas_src>
import jax
import jax.numpy as jnp
from jax import lax
from jax.experimental import pallas as pl
from jax.experimental.pallas import tpu as pltpu
from jax.experimental.pallas import tpu_sc as plsc

N_NODES = 10000
N_EDGES = 320000
D = 128
N_CORES = 2
N_SUBCORES = 16
N_WORKERS = N_CORES * N_SUBCORES
EDGES_PER_TILE = 10000
CHUNK = 128
N_CHUNKS = EDGES_PER_TILE // CHUNK
REM = EDGES_PER_TILE - N_CHUNKS * CHUNK
ROWS_PER_TILE = 632
N_PAD = N_SUBCORES * ROWS_PER_TILE


def _mo(v):
    return pl.multiple_of(v, 8)


def _sc_body(x_hbm, edge_hbm, out_hbm,
             sidx, dch0, dch1, dchr, rows0, rows1, rowsr, acc,
             semr0, semr1, semd0, semd1, sems0, sems1, semrr, semdr):
    c = lax.axis_index("c")
    s = lax.axis_index("s")
    wid = c * N_SUBCORES + s
    ebase = _mo(wid * EDGES_PER_TILE)
    dbase = _mo(N_EDGES + wid * EDGES_PER_TILE)

    pltpu.async_copy(edge_hbm.at[pl.ds(ebase, EDGES_PER_TILE)], sidx, semr0)

    zero = jnp.zeros((16,), jnp.float32)

    def _zrow(i, carry):
        for j in range(D // 16):
            rows0[i, pl.ds(j * 16, 16)] = zero
        return carry

    lax.fori_loop(0, CHUNK, _zrow, 0)
    abase = _mo(s * ROWS_PER_TILE)
    for k in range(ROWS_PER_TILE // CHUNK):
        pltpu.async_copy(rows0, acc.at[pl.ds(_mo(abase + k * CHUNK), CHUNK), :], sems0)
    zrem = ROWS_PER_TILE % CHUNK
    pltpu.async_copy(rows0.at[pl.ds(0, zrem), :],
                     acc.at[pl.ds(_mo(abase + ROWS_PER_TILE - zrem), zrem), :], sems1)
    for k in range(ROWS_PER_TILE // CHUNK):
        pltpu.make_async_copy(rows0, acc.at[pl.ds(abase, CHUNK), :], sems0).wait()
    pltpu.make_async_copy(rows0.at[pl.ds(0, zrem), :],
                          acc.at[pl.ds(abase, zrem), :], sems1).wait()
    pltpu.make_async_copy(edge_hbm.at[pl.ds(0, EDGES_PER_TILE)], sidx, semr0).wait()
    plsc.subcore_barrier()

    def _start(j, rows, dch, semr, semd):
        off = _mo(j * CHUNK)
        pltpu.async_copy(x_hbm.at[sidx.at[pl.ds(off, CHUNK)]], rows, semr)
        pltpu.async_copy(edge_hbm.at[pl.ds(dbase + off, CHUNK)], dch, semd)

    def _wait_in(rows, dch, semr, semd):
        pltpu.make_async_copy(x_hbm.at[pl.ds(0, CHUNK), :], rows, semr).wait()
        pltpu.make_async_copy(edge_hbm.at[pl.ds(0, CHUNK)], dch, semd).wait()

    def _wait_sc(rows, dch, sems):
        pltpu.make_async_copy(rows, acc.at[dch], sems).wait()

    _start(0, rows0, dch0, semr0, semd0)
    _start(1, rows1, dch1, semr1, semd1)

    def _pair(k, carry):
        j0 = k * 2
        _wait_in(rows0, dch0, semr0, semd0)
        pltpu.sync_copy(rows0, acc.at[dch0], add=True)
        _start(j0 + 2, rows0, dch0, semr0, semd0)
        _wait_in(rows1, dch1, semr1, semd1)
        pltpu.sync_copy(rows1, acc.at[dch1], add=True)
        _start(j0 + 3, rows1, dch1, semr1, semd1)
        return carry

    lax.fori_loop(0, N_CHUNKS // 2 - 1, _pair, 0)
    roff = _mo(N_CHUNKS * CHUNK)
    pltpu.async_copy(x_hbm.at[sidx.at[pl.ds(roff, REM)]], rowsr, semrr)
    pltpu.async_copy(edge_hbm.at[pl.ds(dbase + roff, REM)], dchr, semdr)
    _wait_in(rows0, dch0, semr0, semd0)
    pltpu.sync_copy(rows0, acc.at[dch0], add=True)
    _wait_in(rows1, dch1, semr1, semd1)
    pltpu.sync_copy(rows1, acc.at[dch1], add=True)
    pltpu.make_async_copy(x_hbm.at[pl.ds(0, REM), :], rowsr, semrr).wait()
    pltpu.make_async_copy(edge_hbm.at[pl.ds(0, REM)], dchr, semdr).wait()
    pltpu.sync_copy(rowsr, acc.at[dchr], add=True)
    plsc.subcore_barrier()

    pltpu.sync_copy(acc.at[pl.ds(abase, ROWS_PER_TILE), :],
                    out_hbm.at[c, pl.ds(abase, ROWS_PER_TILE), :])


_sc_segsum = pl.kernel(
    _sc_body,
    out_type=jax.ShapeDtypeStruct((N_CORES, N_PAD, D), jnp.float32),
    mesh=plsc.VectorSubcoreMesh(core_axis_name="c", subcore_axis_name="s"),
    scratch_types=[
        pltpu.VMEM((EDGES_PER_TILE,), jnp.int32),
        pltpu.VMEM((CHUNK,), jnp.int32),
        pltpu.VMEM((CHUNK,), jnp.int32),
        pltpu.VMEM((REM,), jnp.int32),
        pltpu.VMEM((CHUNK, D), jnp.float32),
        pltpu.VMEM((CHUNK, D), jnp.float32),
        pltpu.VMEM((REM, D), jnp.float32),
        pltpu.VMEM_SHARED((N_PAD, D), jnp.float32),
        pltpu.SemaphoreType.DMA,
        pltpu.SemaphoreType.DMA,
        pltpu.SemaphoreType.DMA,
        pltpu.SemaphoreType.DMA,
        pltpu.SemaphoreType.DMA,
        pltpu.SemaphoreType.DMA,
        pltpu.SemaphoreType.DMA,
        pltpu.SemaphoreType.DMA,
    ],
)


def _mm_body(p_ref, w_ref, b_ref, o_ref):
    h = p_ref[0] + p_ref[1]
    o_ref[...] = lax.dot_general(
        h, w_ref[...], (((1,), (1,)), ((), ())),
        preferred_element_type=jnp.float32) + b_ref[...]


ROW_BLK = 2000

_mm = pl.pallas_call(
    _mm_body,
    grid=(N_NODES // ROW_BLK,),
    in_specs=[
        pl.BlockSpec((N_CORES, ROW_BLK, D), lambda i: (0, i, 0)),
        pl.BlockSpec((D, D), lambda i: (0, 0)),
        pl.BlockSpec((1, D), lambda i: (0, 0)),
    ],
    out_specs=pl.BlockSpec((ROW_BLK, D), lambda i: (i, 0)),
    out_shape=jax.ShapeDtypeStruct((N_NODES, D), jnp.float32),
)


@jax.jit
def kernel(x, edge_index, W, b):
    edge_flat = edge_index.reshape(2 * N_EDGES)
    parts = _sc_segsum(x, edge_flat)
    return _mm(parts, W, b.reshape(1, D))

# --- scband reference (transcript-rebuilt; emitter-appended) ---
"""Pipeline reference for scband-gcnlayer-16449724744840 (READ-ONLY COPY).

The authoritative reference and input builder live on the scoring server;
editing this copy changes nothing except your own understanding.
"""

import jax, jax.numpy as jnp
import numpy as np

N_NODES = 10000
N_EDGES = 320000
D_IN = 128
D_OUT = 128


def setup_inputs(seed: int = 0) -> dict:
    key = jax.random.key(seed)
    k1, k2, k3 = jax.random.split(key, 3)
    x = jax.random.normal(k1, (N_NODES, D_IN), dtype=jnp.float32)
    edge_index = jax.random.randint(k2, (2, N_EDGES), 0, N_NODES, dtype=jnp.int32)
    # nn.Linear(in_feats, out_feats): weight [out, in], bias [out]
    W = jax.random.normal(k3, (D_OUT, D_IN), dtype=jnp.float32) * 0.02
    b = jnp.zeros((D_OUT,), dtype=jnp.float32)
    return {"x": x, "edge_index": edge_index, "W": W, "b": b}


def reference(x, edge_index, W, b):
    # DGL GCNLayer: msg = src['h']; reduce = sum over incoming edges; then linear.
    src = edge_index[0]
    dst = edge_index[1]
    msg = jnp.take(x, src, axis=0)              # gather: [E, D_in]
    h = jax.ops.segment_sum(msg, dst, num_segments=x.shape[0])  # scatter-add: [N, D_in]
    out = h @ W.T + b                           # linear
    return out

if __name__ == "__main__":
    import jax
    _d = setup_inputs()
    print(jax.jit(kernel)(*tuple(_d.values())))

</pallas_src>

<mosaic_0001>
#map = affine_map<(d0, d1) -> (0, 0)>
#map1 = affine_map<(d0, d1) -> (0)>
#map2 = affine_map<(d0, d1) -> (0, 0, 0)>
module attributes {stable_mosaic.version = 14 : i64} {
  func.func @_sc_body(%arg0: i32, %arg1: i32, %arg2: memref<10000x128xf32, #tpu.memory_space<hbm>>, %arg3: memref<640000xi32, #tpu.memory_space<hbm>>, %arg4: memref<2x10112x128xf32, #tpu.memory_space<hbm>>, %arg5: memref<10000xi32, #tpu.memory_space<vmem>>, %arg6: memref<128xi32, #tpu.memory_space<vmem>>, %arg7: memref<128xi32, #tpu.memory_space<vmem>>, %arg8: memref<16xi32, #tpu.memory_space<vmem>>, %arg9: memref<128x128xf32, #tpu.memory_space<vmem>>, %arg10: memref<128x128xf32, #tpu.memory_space<vmem>>, %arg11: memref<16x128xf32, #tpu.memory_space<vmem>>, %arg12: memref<10112x128xf32, #tpu.memory_space<vmem_shared>>, %arg13: memref<!tpu.dma_semaphore, #tpu.memory_space<semaphore_mem>>, %arg14: memref<!tpu.dma_semaphore, #tpu.memory_space<semaphore_mem>>, %arg15: memref<!tpu.dma_semaphore, #tpu.memory_space<semaphore_mem>>, %arg16: memref<!tpu.dma_semaphore, #tpu.memory_space<semaphore_mem>>, %arg17: memref<!tpu.dma_semaphore, #tpu.memory_space<semaphore_mem>>, %arg18: memref<!tpu.dma_semaphore, #tpu.memory_space<semaphore_mem>>, %arg19: memref<!tpu.dma_semaphore, #tpu.memory_space<semaphore_mem>>, %arg20: memref<!tpu.dma_semaphore, #tpu.memory_space<semaphore_mem>>) attributes {dimension_semantics = [#tpu.dimension_semantics<core_parallel>, #tpu.dimension_semantics<subcore_parallel>], iteration_bounds = array<i64: 2, 16>, scalar_prefetch = 0 : i64, scratch_operands = 16 : i64, tpu.core_type = #tpu.core_type<sc_vector_subcore>, window_params = [{transform_indices = #map}, {transform_indices = #map1}, {transform_indices = #map2}]} {
    %mul3A = arith.constant 16 : i32
    %mul3A_0 = arith.muli %arg0, %mul3A : i32
    %add3A = arith.addi %mul3A_0, %arg1 : i32
    %mul3A_1 = arith.constant 10000 : i32
    %mul3A_2 = arith.muli %add3A, %mul3A_1 : i32
    %multiple_of3A = tpu.assume_multiple %mul3A_2, 8 : i32
    %mul3A_3 = arith.constant 10000 : i32
    %mul3A_4 = arith.muli %add3A, %mul3A_3 : i32
    %add3A_5 = arith.constant 320000 : i32
    %add3A_6 = arith.addi %add3A_5, %mul3A_4 : i32
    %multiple_of3A_7 = tpu.assume_multiple %add3A_6, 8 : i32
    %dma_start3A = tpu.memref_slice %arg3[%multiple_of3A] : memref<640000xi32, #tpu.memory_space<hbm>> -> memref<10000xi32, #tpu.memory_space<hbm>>
    %dma_start3A_8 = tpu.memref_slice %arg3[%multiple_of3A] : memref<640000xi32, #tpu.memory_space<hbm>> -> memref<10000xi32, #tpu.memory_space<hbm>>
    tpu.enqueue_dma source(%dma_start3A_8 : memref<10000xi32, #tpu.memory_space<hbm>>) target(%arg5 : memref<10000xi32, #tpu.memory_space<vmem>>) target_semaphore(%arg13 : memref<!tpu.dma_semaphore, #tpu.memory_space<semaphore_mem>>)
    %broadcast_in_dim3A = arith.constant 0.000000e+00 : f32
    %broadcast_in_dim3A_9 = vector.broadcast %broadcast_in_dim3A : f32 to vector<16xf32>
    %scan3A = arith.constant 0 : i32
    %scan3A_10 = arith.constant 0 : i32
    %scan3A_11 = arith.constant 128 : i32
    %scan3A_12 = arith.addi %scan3A_10, %scan3A_11 : i32
    %scan3A_13 = arith.constant 1 : i32
    scf.for %scan3A_153 = %scan3A_10 to %scan3A_12 step %scan3A_13  : i32 {
      %swap3A = arith.index_cast %scan3A_153 : i32 to index
      %swap3A_154 = arith.constant 0 : index
      %swap3A_155 = tpu.vector_load %arg9[%swap3A, %swap3A_154] {strides = array<i32>} : memref<128x128xf32, #tpu.memory_space<vmem>>, vector<1x16xf32>,
      %swap3A_156 = vector.shape_cast %swap3A_155 : vector<1x16xf32> to vector<16xf32>
      %swap3A_157 = vector.shape_cast %broadcast_in_dim3A_9 : vector<16xf32> to vector<1x16xf32>
      tpu.vector_store %arg9[%swap3A, %swap3A_154], %swap3A_157 {strides = array<i32>} : memref<128x128xf32, #tpu.memory_space<vmem>>, vector<1x16xf32>,
      %swap3A_158 = arith.index_cast %scan3A_153 : i32 to index
      %swap3A_159 = arith.constant 16 : index
      %swap3A_160 = tpu.vector_load %arg9[%swap3A_158, %swap3A_159] {strides = array<i32>} : memref<128x128xf32, #tpu.memory_space<vmem>>, vector<1x16xf32>,
      %swap3A_161 = vector.shape_cast %swap3A_160 : vector<1x16xf32> to vector<16xf32>
      %swap3A_162 = vector.shape_cast %broadcast_in_dim3A_9 : vector<16xf32> to vector<1x16xf32>
      tpu.vector_store %arg9[%swap3A_158, %swap3A_159], %swap3A_162 {strides = array<i32>} : memref<128x128xf32, #tpu.memory_space<vmem>>, vector<1x16xf32>,
      %swap3A_163 = arith.index_cast %scan3A_153 : i32 to index
      %swap3A_164 = arith.constant 32 : index
      %swap3A_165 = tpu.vector_load %arg9[%swap3A_163, %swap3A_164] {strides = array<i32>} : memref<128x128xf32, #tpu.memory_space<vmem>>, vector<1x16xf32>,
      %swap3A_166 = vector.shape_cast %swap3A_165 : vector<1x16xf32> to vector<16xf32>
      %swap3A_167 = vector.shape_cast %broadcast_in_dim3A_9 : vector<16xf32> to vector<1x16xf32>
      tpu.vector_store %arg9[%swap3A_163, %swap3A_164], %swap3A_167 {strides = array<i32>} : memref<128x128xf32, #tpu.memory_space<vmem>>, vector<1x16xf32>,
      %swap3A_168 = arith.index_cast %scan3A_153 : i32 to index
      %swap3A_169 = arith.constant 48 : index
      %swap3A_170 = tpu.vector_load %arg9[%swap3A_168, %swap3A_169] {strides = array<i32>} : memref<128x128xf32, #tpu.memory_space<vmem>>, vector<1x16xf32>,
      %swap3A_171 = vector.shape_cast %swap3A_170 : vector<1x16xf32> to vector<16xf32>
      %swap3A_172 = vector.shape_cast %broadcast_in_dim3A_9 : vector<16xf32> to vector<1x16xf32>
      tpu.vector_store %arg9[%swap3A_168, %swap3A_169], %swap3A_172 {strides = array<i32>} : memref<128x128xf32, #tpu.memory_space<vmem>>, vector<1x16xf32>,
      %swap3A_173 = arith.index_cast %scan3A_153 : i32 to index
      %swap3A_174 = arith.constant 64 : index
      %swap3A_175 = tpu.vector_load %arg9[%swap3A_173, %swap3A_174] {strides = array<i32>} : memref<128x128xf32, #tpu.memory_space<vmem>>, vector<1x16xf32>,
      %swap3A_176 = vector.shape_cast %swap3A_175 : vector<1x16xf32> to vector<16xf32>
      %swap3A_177 = vector.shape_cast %broadcast_in_dim3A_9 : vector<16xf32> to vector<1x16xf32>
      tpu.vector_store %arg9[%swap3A_173, %swap3A_174], %swap3A_177 {strides = array<i32>} : memref<128x128xf32, #tpu.memory_space<vmem>>, vector<1x16xf32>,
      %swap3A_178 = arith.index_cast %scan3A_153 : i32 to index
      %swap3A_179 = arith.constant 80 : index
      %swap3A_180 = tpu.vector_load %arg9[%swap3A_178, %swap3A_179] {strides = array<i32>} : memref<128x128xf32, #tpu.memory_space<vmem>>, vector<1x16xf32>,
      %swap3A_181 = vector.shape_cast %swap3A_180 : vector<1x16xf32> to vector<16xf32>
      %swap3A_182 = vector.shape_cast %broadcast_in_dim3A_9 : vector<16xf32> to vector<1x16xf32>
      tpu.vector_store %arg9[%swap3A_178, %swap3A_179], %swap3A_182 {strides = array<i32>} : memref<128x128xf32, #tpu.memory_space<vmem>>, vector<1x16xf32>,
      %swap3A_183 = arith.index_cast %scan3A_153 : i32 to index
      %swap3A_184 = arith.constant 96 : index
      %swap3A_185 = tpu.vector_load %arg9[%swap3A_183, %swap3A_184] {strides = array<i32>} : memref<128x128xf32, #tpu.memory_space<vmem>>, vector<1x16xf32>,
      %swap3A_186 = vector.shape_cast %swap3A_185 : vector<1x16xf32> to vector<16xf32>
      %swap3A_187 = vector.shape_cast %broadcast_in_dim3A_9 : vector<16xf32> to vector<1x16xf32>
      tpu.vector_store %arg9[%swap3A_183, %swap3A_184], %swap3A_187 {strides = array<i32>} : memref<128x128xf32, #tpu.memory_space<vmem>>, vector<1x16xf32>,
      %swap3A_188 = arith.index_cast %scan3A_153 : i32 to index
      %swap3A_189 = arith.constant 112 : index
      %swap3A_190 = tpu.vector_load %arg9[%swap3A_188, %swap3A_189] {strides = array<i32>} : memref<128x128xf32, #tpu.memory_space<vmem>>, vector<1x16xf32>,
      %swap3A_191 = vector.shape_cast %swap3A_190 : vector<1x16xf32> to vector<16xf32>
      %swap3A_192 = vector.shape_cast %broadcast_in_dim3A_9 : vector<16xf32> to vector<1x16xf32>
      tpu.vector_store %arg9[%swap3A_188, %swap3A_189], %swap3A_192 {strides = array<i32>} : memref<128x128xf32, #tpu.memory_space<vmem>>, vector<1x16xf32>,
    }
    %scan3A_14 = arith.constant 128 : i32
    %mul3A_15 = arith.constant 632 : i32
    %mul3A_16 = arith.muli %arg1, %mul3A_15 : i32
    %multiple_of3A_17 = tpu.assume_multiple %mul3A_16, 8 : i32
    %add3A_18 = arith.constant 0 : i32
    %add3A_19 = arith.addi %multiple_of3A_17, %add3A_18 : i32
    %multiple_of3A_20 = tpu.assume_multiple %add3A_19, 8 : i32
    %dma_start3A_21 = arith.constant 0 : i32
    %dma_start3A_22 = tpu.memref_slice %arg12[%multiple_of3A_20, %dma_start3A_21] : memref<10112x128xf32, #tpu.memory_space<vmem_shared>> -> memref<128x128xf32, #tpu.memory_space<vmem_shared>>
    %dma_start3A_23 = arith.constant 0 : i32
    %dma_start3A_24 = tpu.memref_slice %arg12[%multiple_of3A_20, %dma_start3A_23] : memref<10112x128xf32, #tpu.memory_space<vmem_shared>> -> memref<128x128xf32, #tpu.memory_space<vmem_shared>>
    tpu.enqueue_dma source(%arg9 : memref<128x128xf32, #tpu.memory_space<vmem>>) target(%dma_start3A_24 : memref<128x128xf32, #tpu.memory_space<vmem_shared>>) target_semaphore(%arg17 : memref<!tpu.dma_semaphore, #tpu.memory_space<semaphore_mem>>)
    %add3A_25 = arith.constant 128 : i32
    %add3A_26 = arith.addi %multiple_of3A_17, %add3A_25 : i32
    %multiple_of3A_27 = tpu.assume_multiple %add3A_26, 8 : i32
    %dma_start3A_28 = arith.constant 0 : i32
    %dma_start3A_29 = tpu.memref_slice %arg12[%multiple_of3A_27, %dma_start3A_28] : memref<10112x128xf32, #tpu.memory_space<vmem_shared>> -> memref<128x128xf32, #tpu.memory_space<vmem_shared>>
    %dma_start3A_30 = arith.constant 0 : i32
    %dma_start3A_31 = tpu.memref_slice %arg12[%multiple_of3A_27, %dma_start3A_30] : memref<10112x128xf32, #tpu.memory_space<vmem_shared>> -> memref<128x128xf32, #tpu.memory_space<vmem_shared>>
    tpu.enqueue_dma source(%arg9 : memref<128x128xf32, #tpu.memory_space<vmem>>) target(%dma_start3A_31 : memref<128x128xf32, #tpu.memory_space<vmem_shared>>) target_semaphore(%arg17 : memref<!tpu.dma_semaphore, #tpu.memory_space<semaphore_mem>>)
    %add3A_32 = arith.constant 256 : i32
    %add3A_33 = arith.addi %multiple_of3A_17, %add3A_32 : i32
    %multiple_of3A_34 = tpu.assume_multiple %add3A_33, 8 : i32
    %dma_start3A_35 = arith.constant 0 : i32
    %dma_start3A_36 = tpu.memref_slice %arg12[%multiple_of3A_34, %dma_start3A_35] : memref<10112x128xf32, #tpu.memory_space<vmem_shared>> -> memref<128x128xf32, #tpu.memory_space<vmem_shared>>
    %dma_start3A_37 = arith.constant 0 : i32
    %dma_start3A_38 = tpu.memref_slice %arg12[%multiple_of3A_34, %dma_start3A_37] : memref<10112x128xf32, #tpu.memory_space<vmem_shared>> -> memref<128x128xf32, #tpu.memory_space<vmem_shared>>
    tpu.enqueue_dma source(%arg9 : memref<128x128xf32, #tpu.memory_space<vmem>>) target(%dma_start3A_38 : memref<128x128xf32, #tpu.memory_space<vmem_shared>>) target_semaphore(%arg17 : memref<!tpu.dma_semaphore, #tpu.memory_space<semaphore_mem>>)
    %add3A_39 = arith.constant 384 : i32
    %add3A_40 = arith.addi %multiple_of3A_17, %add3A_39 : i32
    %multiple_of3A_41 = tpu.assume_multiple %add3A_40, 8 : i32
    %dma_start3A_42 = arith.constant 0 : i32
    %dma_start3A_43 = tpu.memref_slice %arg12[%multiple_of3A_41, %dma_start3A_42] : memref<10112x128xf32, #tpu.memory_space<vmem_shared>> -> memref<128x128xf32, #tpu.memory_space<vmem_shared>>
    %dma_start3A_44 = arith.constant 0 : i32
    %dma_start3A_45 = tpu.memref_slice %arg12[%multiple_of3A_41, %dma_start3A_44] : memref<10112x128xf32, #tpu.memory_space<vmem_shared>> -> memref<128x128xf32, #tpu.memory_space<vmem_shared>>
    tpu.enqueue_dma source(%arg9 : memref<128x128xf32, #tpu.memory_space<vmem>>) target(%dma_start3A_45 : memref<128x128xf32, #tpu.memory_space<vmem_shared>>) target_semaphore(%arg17 : memref<!tpu.dma_semaphore, #tpu.memory_space<semaphore_mem>>)
    %add3A_46 = arith.constant 632 : i32
    %add3A_47 = arith.addi %multiple_of3A_17, %add3A_46 : i32
    %sub3A = arith.constant 120 : i32
    %sub3A_48 = arith.subi %add3A_47, %sub3A : i32
    %multiple_of3A_49 = tpu.assume_multiple %sub3A_48, 8 : i32
    %dma_start3A_50 = arith.constant 0 : i32
    %dma_start3A_51 = arith.constant 0 : i32
    %dma_start3A_52 = tpu.memref_slice %arg9[%dma_start3A_50, %dma_start3A_51] : memref<128x128xf32, #tpu.memory_space<vmem>> -> memref<120x128xf32, #tpu.memory_space<vmem>>
    %dma_start3A_53 = arith.constant 0 : i32
    %dma_start3A_54 = tpu.memref_slice %arg12[%multiple_of3A_49, %dma_start3A_53] : memref<10112x128xf32, #tpu.memory_space<vmem_shared>> -> memref<120x128xf32, #tpu.memory_space<vmem_shared>>
    %dma_start3A_55 = arith.constant 0 : i32
    %dma_start3A_56 = tpu.memref_slice %arg12[%multiple_of3A_49, %dma_start3A_55] : memref<10112x128xf32, #tpu.memory_space<vmem_shared>> -> memref<120x128xf32, #tpu.memory_space<vmem_shared>>
    %dma_start3A_57 = arith.constant 0 : i32
    %dma_start3A_58 = arith.constant 0 : i32
    %dma_start3A_59 = tpu.memref_slice %arg9[%dma_start3A_57, %dma_start3A_58] : memref<128x128xf32, #tpu.memory_space<vmem>> -> memref<120x128xf32, #tpu.memory_space<vmem>>
    tpu.enqueue_dma source(%dma_start3A_59 : memref<120x128xf32, #tpu.memory_space<vmem>>) target(%dma_start3A_56 : memref<120x128xf32, #tpu.memory_space<vmem_shared>>) target_semaphore(%arg18 : memref<!tpu.dma_semaphore, #tpu.memory_space<semaphore_mem>>)
    %dma_wait3A = arith.constant 0 : i32
    %dma_wait3A_60 = tpu.memref_slice %arg12[%multiple_of3A_17, %dma_wait3A] : memref<10112x128xf32, #tpu.memory_space<vmem_shared>> -> memref<128x128xf32, #tpu.memory_space<vmem_shared>>
    %dma_wait3A_61 = arith.constant 0 : i32
    %dma_wait3A_62 = tpu.memref_slice %arg12[%multiple_of3A_17, %dma_wait3A_61] : memref<10112x128xf32, #tpu.memory_space<vmem_shared>> -> memref<128x128xf32, #tpu.memory_space<vmem_shared>>
    tpu.wait_dma2 semaphore(%arg17 : memref<!tpu.dma_semaphore, #tpu.memory_space<semaphore_mem>>) src(%arg9 : memref<128x128xf32, #tpu.memory_space<vmem>>) dst(%dma_wait3A_62 : memref<128x128xf32, #tpu.memory_space<vmem_shared>>)
    %dma_wait3A_63 = arith.constant 0 : i32
    %dma_wait3A_64 = tpu.memref_slice %arg12[%multiple_of3A_17, %dma_wait3A_63] : memref<10112x128xf32, #tpu.memory_space<vmem_shared>> -> memref<128x128xf32, #tpu.memory_space<vmem_shared>>
    %dma_wait3A_65 = arith.constant 0 : i32
    %dma_wait3A_66 = tpu.memref_slice %arg12[%multiple_of3A_17, %dma_wait3A_65] : memref<10112x128xf32, #tpu.memory_space<vmem_shared>> -> memref<128x128xf32, #tpu.memory_space<vmem_shared>>
    tpu.wait_dma2 semaphore(%arg17 : memref<!tpu.dma_semaphore, #tpu.memory_space<semaphore_mem>>) src(%arg9 : memref<128x128xf32, #tpu.memory_space<vmem>>) dst(%dma_wait3A_66 : memref<128x128xf32, #tpu.memory_space<vmem_shared>>)
    %dma_wait3A_67 = arith.constant 0 : i32
    %dma_wait3A_68 = tpu.memref_slice %arg12[%multiple_of3A_17, %dma_wait3A_67] : memref<10112x128xf32, #tpu.memory_space<vmem_shared>> -> memref<128x128xf32, #tpu.memory_space<vmem_shared>>
    %dma_wait3A_69 = arith.constant 0 : i32
    %dma_wait3A_70 = tpu.memref_slice %arg12[%multiple_of3A_17, %dma_wait3A_69] : memref<10112x128xf32, #tpu.memory_space<vmem_shared>> -> memref<128x128xf32, #tpu.memory_space<vmem_shared>>
    tpu.wait_dma2 semaphore(%arg17 : memref<!tpu.dma_semaphore, #tpu.memory_space<semaphore_mem>>) src(%arg9 : memref<128x128xf32, #tpu.memory_space<vmem>>) dst(%dma_wait3A_70 : memref<128x128xf32, #tpu.memory_space<vmem_shared>>)
    %dma_wait3A_71 = arith.constant 0 : i32
    %dma_wait3A_72 = tpu.memref_slice %arg12[%multiple_of3A_17, %dma_wait3A_71] : memref<10112x128xf32, #tpu.memory_space<vmem_shared>> -> memref<128x128xf32, #tpu.memory_space<vmem_shared>>
    %dma_wait3A_73 = arith.constant 0 : i32
    %dma_wait3A_74 = tpu.memref_slice %arg12[%multiple_of3A_17, %dma_wait3A_73] : memref<10112x128xf32, #tpu.memory_space<vmem_shared>> -> memref<128x128xf32, #tpu.memory_space<vmem_shared>>
    tpu.wait_dma2 semaphore(%arg17 : memref<!tpu.dma_semaphore, #tpu.memory_space<semaphore_mem>>) src(%arg9 : memref<128x128xf32, #tpu.memory_space<vmem>>) dst(%dma_wait3A_74 : memref<128x128xf32, #tpu.memory_space<vmem_shared>>)
    %dma_wait3A_75 = arith.constant 0 : i32
    %dma_wait3A_76 = arith.constant 0 : i32
    %dma_wait3A_77 = tpu.memref_slice %arg9[%dma_wait3A_75, %dma_wait3A_76] : memref<128x128xf32, #tpu.memory_space<vmem>> -> memref<120x128xf32, #tpu.memory_space<vmem>>
    %dma_wait3A_78 = arith.constant 0 : i32
    %dma_wait3A_79 = tpu.memref_slice %arg12[%multiple_of3A_17, %dma_wait3A_78] : memref<10112x128xf32, #tpu.memory_space<vmem_shared>> -> memref<120x128xf32, #tpu.memory_space<vmem_shared>>
    %dma_wait3A_80 = arith.constant 0 : i32
    %dma_wait3A_81 = tpu.memref_slice %arg12[%multiple_of3A_17, %dma_wait3A_80] : memref<10112x128xf32, #tpu.memory_space<vmem_shared>> -> memref<120x128xf32, #tpu.memory_space<vmem_shared>>
    %dma_wait3A_82 = arith.constant 0 : i32
    %dma_wait3A_83 = arith.constant 0 : i32
    %dma_wait3A_84 = tpu.memref_slice %arg9[%dma_wait3A_82, %dma_wait3A_83] : memref<128x128xf32, #tpu.memory_space<vmem>> -> memref<120x128xf32, #tpu.memory_space<vmem>>
    tpu.wait_dma2 semaphore(%arg18 : memref<!tpu.dma_semaphore, #tpu.memory_space<semaphore_mem>>) src(%dma_wait3A_84 : memref<120x128xf32, #tpu.memory_space<vmem>>) dst(%dma_wait3A_81 : memref<120x128xf32, #tpu.memory_space<vmem_shared>>)
    %dma_wait3A_85 = arith.constant 0 : i32
    %dma_wait3A_86 = tpu.memref_slice %arg3[%dma_wait3A_85] : memref<640000xi32, #tpu.memory_space<hbm>> -> memref<10000xi32, #tpu.memory_space<hbm>>
    %dma_wait3A_87 = arith.constant 0 : i32
    %dma_wait3A_88 = tpu.memref_slice %arg3[%dma_wait3A_87] : memref<640000xi32, #tpu.memory_space<hbm>> -> memref<10000xi32, #tpu.memory_space<hbm>>
    tpu.wait_dma2 semaphore(%arg13 : memref<!tpu.dma_semaphore, #tpu.memory_space<semaphore_mem>>) src(%dma_wait3A_88 : memref<10000xi32, #tpu.memory_space<hbm>>) dst(%arg5 : memref<10000xi32, #tpu.memory_space<vmem>>)
    %barrier3A = arith.constant 0 : index
    tpu.barrier barrier_id(%barrier3A)
    %multiple_of3A_89 = arith.constant 0 : i32
    %multiple_of3A_90 = tpu.assume_multiple %multiple_of3A_89, 8 : i32
    %dma_start3A_91 = tpu.memref_slice %arg5[%multiple_of3A_90] : memref<10000xi32, #tpu.memory_space<vmem>> -> memref<128xi32, #tpu.memory_space<vmem>>
    %dma_start3A_92 = arith.constant 0 : i32
    %dma_start3A_93 = arith.constant 0 : i32
    %dma_start3A_94 = tpu.memref_slice %arg2[%dma_start3A_92, %dma_start3A_93] : memref<10000x128xf32, #tpu.memory_space<hbm>> -> memref<10000x128xf32, #tpu.memory_space<hbm>>
    tpu.enqueue_indirect_dma source(%dma_start3A_94 : memref<10000x128xf32, #tpu.memory_space<hbm>>) target(%arg9 : memref<128x128xf32, #tpu.memory_space<vmem>>) offsets(%dma_start3A_91 : memref<128xi32, #tpu.memory_space<vmem>>) semaphore(%arg13 : memref<!tpu.dma_semaphore, #tpu.memory_space<semaphore_mem>>)
    %add3A_95 = arith.addi %multiple_of3A_7, %multiple_of3A_90 : i32
    %dma_start3A_96 = tpu.memref_slice %arg3[%add3A_95] : memref<640000xi32, #tpu.memory_space<hbm>> -> memref<128xi32, #tpu.memory_space<hbm>>
    %dma_start3A_97 = tpu.memref_slice %arg3[%add3A_95] : memref<640000xi32, #tpu.memory_space<hbm>> -> memref<128xi32, #tpu.memory_space<hbm>>
    tpu.enqueue_dma source(%dma_start3A_97 : memref<128xi32, #tpu.memory_space<hbm>>) target(%arg6 : memref<128xi32, #tpu.memory_space<vmem>>) target_semaphore(%arg15 : memref<!tpu.dma_semaphore, #tpu.memory_space<semaphore_mem>>)
    %multiple_of3A_98 = arith.constant 128 : i32
    %multiple_of3A_99 = tpu.assume_multiple %multiple_of3A_98, 8 : i32
    %dma_start3A_100 = tpu.memref_slice %arg5[%multiple_of3A_99] : memref<10000xi32, #tpu.memory_space<vmem>> -> memref<128xi32, #tpu.memory_space<vmem>>
    %dma_start3A_101 = arith.constant 0 : i32
    %dma_start3A_102 = arith.constant 0 : i32
    %dma_start3A_103 = tpu.memref_slice %arg2[%dma_start3A_101, %dma_start3A_102] : memref<10000x128xf32, #tpu.memory_space<hbm>> -> memref<10000x128xf32, #tpu.memory_space<hbm>>
    tpu.enqueue_indirect_dma source(%dma_start3A_103 : memref<10000x128xf32, #tpu.memory_space<hbm>>) target(%arg10 : memref<128x128xf32, #tpu.memory_space<vmem>>) offsets(%dma_start3A_100 : memref<128xi32, #tpu.memory_space<vmem>>) semaphore(%arg14 : memref<!tpu.dma_semaphore, #tpu.memory_space<semaphore_mem>>)
    %add3A_104 = arith.addi %multiple_of3A_7, %multiple_of3A_99 : i32
    %dma_start3A_105 = tpu.memref_slice %arg3[%add3A_104] : memref<640000xi32, #tpu.memory_space<hbm>> -> memref<128xi32, #tpu.memory_space<hbm>>
    %dma_start3A_106 = tpu.memref_slice %arg3[%add3A_104] : memref<640000xi32, #tpu.memory_space<hbm>> -> memref<128xi32, #tpu.memory_space<hbm>>
    tpu.enqueue_dma source(%dma_start3A_106 : memref<128xi32, #tpu.memory_space<hbm>>) target(%arg7 : memref<128xi32, #tpu.memory_space<vmem>>) target_semaphore(%arg16 : memref<!tpu.dma_semaphore, #tpu.memory_space<semaphore_mem>>)
    %scan3A_107 = arith.constant 0 : i32
    %scan3A_108 = arith.constant 0 : i32
    %scan3A_109 = arith.constant 38 : i32
    %scan3A_110 = arith.addi %scan3A_108, %scan3A_109 : i32
    %scan3A_111 = arith.constant 1 : i32
    scf.for %scan3A_153 = %scan3A_108 to %scan3A_110 step %scan3A_111  : i32 {
      %mul3A_154 = arith.constant 2 : i32
      %mul3A_155 = arith.muli %scan3A_153, %mul3A_154 : i32
      %dma_wait3A_156 = arith.constant 0 : i32
      %dma_wait3A_157 = arith.constant 0 : i32
      %dma_wait3A_158 = tpu.memref_slice %arg2[%dma_wait3A_156, %dma_wait3A_157] : memref<10000x128xf32, #tpu.memory_space<hbm>> -> memref<128x128xf32, #tpu.memory_space<hbm>>
      %dma_wait3A_159 = arith.constant 0 : i32
      %dma_wait3A_160 = arith.constant 0 : i32
      %dma_wait3A_161 = tpu.memref_slice %arg2[%dma_wait3A_159, %dma_wait3A_160] : memref<10000x128xf32, #tpu.memory_space<hbm>> -> memref<128x128xf32, #tpu.memory_space<hbm>>
      tpu.wait_dma2 semaphore(%arg13 : memref<!tpu.dma_semaphore, #tpu.memory_space<semaphore_mem>>) src(%dma_wait3A_161 : memref<128x128xf32, #tpu.memory_space<hbm>>) dst(%arg9 : memref<128x128xf32, #tpu.memory_space<vmem>>)
      %dma_wait3A_162 = arith.constant 0 : i32
      %dma_wait3A_163 = tpu.memref_slice %arg3[%dma_wait3A_162] : memref<640000xi32, #tpu.memory_space<hbm>> -> memref<128xi32, #tpu.memory_space<hbm>>
      %dma_wait3A_164 = arith.constant 0 : i32
      %dma_wait3A_165 = tpu.memref_slice %arg3[%dma_wait3A_164] : memref<640000xi32, #tpu.memory_space<hbm>> -> memref<128xi32, #tpu.memory_space<hbm>>
      tpu.wait_dma2 semaphore(%arg15 : memref<!tpu.dma_semaphore, #tpu.memory_space<semaphore_mem>>) src(%dma_wait3A_165 : memref<128xi32, #tpu.memory_space<hbm>>) dst(%arg6 : memref<128xi32, #tpu.memory_space<vmem>>)
      "tpu.region"() ({
        %run_scoped3A = tpu.sem_alloc : memref<!tpu.dma_semaphore, #tpu.memory_space<semaphore_mem>>
        %dma_start3A_200 = arith.constant 0 : i32
        %dma_start3A_201 = arith.constant 0 : i32
        %dma_start3A_202 = tpu.memref_slice %arg12[%dma_start3A_200, %dma_start3A_201] : memref<10112x128xf32, #tpu.memory_space<vmem_shared>> -> memref<10112x128xf32, #tpu.memory_space<vmem_shared>>
        tpu.enqueue_indirect_dma source(%arg9 : memref<128x128xf32, #tpu.memory_space<vmem>>) target(%dma_start3A_202 : memref<10112x128xf32, #tpu.memory_space<vmem_shared>>) offsets(%arg6 : memref<128xi32, #tpu.memory_space<vmem>>) semaphore(%run_scoped3A : memref<!tpu.dma_semaphore, #tpu.memory_space<semaphore_mem>>) {add = true}
        %dma_wait3A_203 = arith.constant 0 : i32
        %dma_wait3A_204 = arith.constant 0 : i32
        %dma_wait3A_205 = tpu.memref_slice %arg12[%dma_wait3A_203, %dma_wait3A_204] : memref<10112x128xf32, #tpu.memory_space<vmem_shared>> -> memref<10112x128xf32, #tpu.memory_space<vmem_shared>>
        tpu.wait_indirect_dma semaphore(%run_scoped3A : memref<!tpu.dma_semaphore, #tpu.memory_space<semaphore_mem>>) src(%arg9 : memref<128x128xf32, #tpu.memory_space<vmem>>) dst(%dma_wait3A_205 : memref<10112x128xf32, #tpu.memory_space<vmem_shared>>)
        tpu.yield
      }) : () -> ()
      %add3A_166 = arith.constant 2 : i32
      %add3A_167 = arith.addi %mul3A_155, %add3A_166 : i32
      %mul3A_168 = arith.constant 128 : i32
      %mul3A_169 = arith.muli %add3A_167, %mul3A_168 : i32
      %multiple_of3A_170 = tpu.assume_multiple %mul3A_169, 8 : i32
      %dma_start3A_171 = tpu.memref_slice %arg5[%multiple_of3A_170] : memref<10000xi32, #tpu.memory_space<vmem>> -> memref<128xi32, #tpu.memory_space<vmem>>
      %dma_start3A_172 = arith.constant 0 : i32
      %dma_start3A_173 = arith.constant 0 : i32
      %dma_start3A_174 = tpu.memref_slice %arg2[%dma_start3A_172, %dma_start3A_173] : memref<10000x128xf32, #tpu.memory_space<hbm>> -> memref<10000x128xf32, #tpu.memory_space<hbm>>
      tpu.enqueue_indirect_dma source(%dma_start3A_174 : memref<10000x128xf32, #tpu.memory_space<hbm>>) target(%arg9 : memref<128x128xf32, #tpu.memory_space<vmem>>) offsets(%dma_start3A_171 : memref<128xi32, #tpu.memory_space<vmem>>) semaphore(%arg13 : memref<!tpu.dma_semaphore, #tpu.memory_space<semaphore_mem>>)
      %add3A_175 = arith.addi %multiple_of3A_7, %multiple_of3A_170 : i32
      %dma_start3A_176 = tpu.memref_slice %arg3[%add3A_175] : memref<640000xi32, #tpu.memory_space<hbm>> -> memref<128xi32, #tpu.memory_space<hbm>>
      %dma_start3A_177 = tpu.memref_slice %arg3[%add3A_175] : memref<640000xi32, #tpu.memory_space<hbm>> -> memref<128xi32, #tpu.memory_space<hbm>>
      tpu.enqueue_dma source(%dma_start3A_177 : memref<128xi32, #tpu.memory_space<hbm>>) target(%arg6 : memref<128xi32, #tpu.memory_space<vmem>>) target_semaphore(%arg15 : memref<!tpu.dma_semaphore, #tpu.memory_space<semaphore_mem>>)
      %dma_wait3A_178 = arith.constant 0 : i32
      %dma_wait3A_179 = arith.constant 0 : i32
      %dma_wait3A_180 = tpu.memref_slice %arg2[%dma_wait3A_178, %dma_wait3A_179] : memref<10000x128xf32, #tpu.memory_space<hbm>> -> memref<128x128xf32, #tpu.memory_space<hbm>>
      %dma_wait3A_181 = arith.constant 0 : i32
      %dma_wait3A_182 = arith.constant 0 : i32
      %dma_wait3A_183 = tpu.memref_slice %arg2[%dma_wait3A_181, %dma_wait3A_182] : memref<10000x128xf32, #tpu.memory_space<hbm>> -> memref<128x128xf32, #tpu.memory_space<hbm>>
      tpu.wait_dma2 semaphore(%arg14 : memref<!tpu.dma_semaphore, #tpu.memory_space<semaphore_mem>>) src(%dma_wait3A_183 : memref<128x128xf32, #tpu.memory_space<hbm>>) dst(%arg10 : memref<128x128xf32, #tpu.memory_space<vmem>>)
      %dma_wait3A_184 = arith.constant 0 : i32
      %dma_wait3A_185 = tpu.memref_slice %arg3[%dma_wait3A_184] : memref<640000xi32, #tpu.memory_space<hbm>> -> memref<128xi32, #tpu.memory_space<hbm>>
      %dma_wait3A_186 = arith.constant 0 : i32
      %dma_wait3A_187 = tpu.memref_slice %arg3[%dma_wait3A_186] : memref<640000xi32, #tpu.memory_space<hbm>> -> memref<128xi32, #tpu.memory_space<hbm>>
      tpu.wait_dma2 semaphore(%arg16 : memref<!tpu.dma_semaphore, #tpu.memory_space<semaphore_mem>>) src(%dma_wait3A_187 : memref<128xi32, #tpu.memory_space<hbm>>) dst(%arg7 : memref<128xi32, #tpu.memory_space<vmem>>)
      "tpu.region"() ({
        %run_scoped3A = tpu.sem_alloc : memref<!tpu.dma_semaphore, #tpu.memory_space<semaphore_mem>>
        %dma_start3A_200 = arith.constant 0 : i32
        %dma_start3A_201 = arith.constant 0 : i32
        %dma_start3A_202 = tpu.memref_slice %arg12[%dma_start3A_200, %dma_start3A_201] : memref<10112x128xf32, #tpu.memory_space<vmem_shared>> -> memref<10112x128xf32, #tpu.memory_space<vmem_shared>>
        tpu.enqueue_indirect_dma source(%arg10 : memref<128x128xf32, #tpu.memory_space<vmem>>) target(%dma_start3A_202 : memref<10112x128xf32, #tpu.memory_space<vmem_shared>>) offsets(%arg7 : memref<128xi32, #tpu.memory_space<vmem>>) semaphore(%run_scoped3A : memref<!tpu.dma_semaphore, #tpu.memory_space<semaphore_mem>>) {add = true}
        %dma_wait3A_203 = arith.constant 0 : i32
        %dma_wait3A_204 = arith.constant 0 : i32
        %dma_wait3A_205 = tpu.memref_slice %arg12[%dma_wait3A_203, %dma_wait3A_204] : memref<10112x128xf32, #tpu.memory_space<vmem_shared>> -> memref<10112x128xf32, #tpu.memory_space<vmem_shared>>
        tpu.wait_indirect_dma semaphore(%run_scoped3A : memref<!tpu.dma_semaphore, #tpu.memory_space<semaphore_mem>>) src(%arg10 : memref<128x128xf32, #tpu.memory_space<vmem>>) dst(%dma_wait3A_205 : memref<10112x128xf32, #tpu.memory_space<vmem_shared>>)
        tpu.yield
      }) : () -> ()
      %add3A_188 = arith.constant 3 : i32
      %add3A_189 = arith.addi %mul3A_155, %add3A_188 : i32
      %mul3A_190 = arith.constant 128 : i32
      %mul3A_191 = arith.muli %add3A_189, %mul3A_190 : i32
      %multiple_of3A_192 = tpu.assume_multiple %mul3A_191, 8 : i32
      %dma_start3A_193 = tpu.memref_slice %arg5[%multiple_of3A_192] : memref<10000xi32, #tpu.memory_space<vmem>> -> memref<128xi32, #tpu.memory_space<vmem>>
      %dma_start3A_194 = arith.constant 0 : i32
      %dma_start3A_195 = arith.constant 0 : i32
      %dma_start3A_196 = tpu.memref_slice %arg2[%dma_start3A_194, %dma_start3A_195] : memref<10000x128xf32, #tpu.memory_space<hbm>> -> memref<10000x128xf32, #tpu.memory_space<hbm>>
      tpu.enqueue_indirect_dma source(%dma_start3A_196 : memref<10000x128xf32, #tpu.memory_space<hbm>>) target(%arg10 : memref<128x128xf32, #tpu.memory_space<vmem>>) offsets(%dma_start3A_193 : memref<128xi32, #tpu.memory_space<vmem>>) semaphore(%arg14 : memref<!tpu.dma_semaphore, #tpu.memory_space<semaphore_mem>>)
      %add3A_197 = arith.addi %multiple_of3A_7, %multiple_of3A_192 : i32
      %dma_start3A_198 = tpu.memref_slice %arg3[%add3A_197] : memref<640000xi32, #tpu.memory_space<hbm>> -> memref<128xi32, #tpu.memory_space<hbm>>
      %dma_start3A_199 = tpu.memref_slice %arg3[%add3A_197] : memref<640000xi32, #tpu.memory_space<hbm>> -> memref<128xi32, #tpu.memory_space<hbm>>
      tpu.enqueue_dma source(%dma_start3A_199 : memref<128xi32, #tpu.memory_space<hbm>>) target(%arg7 : memref<128xi32, #tpu.memory_space<vmem>>) target_semaphore(%arg16 : memref<!tpu.dma_semaphore, #tpu.memory_space<semaphore_mem>>)
    }
    %scan3A_112 = arith.constant 38 : i32
    %multiple_of3A_113 = arith.constant 9984 : i32
    %multiple_of3A_114 = tpu.assume_multiple %multiple_of3A_113, 8 : i32
    %dma_start3A_115 = tpu.memref_slice %arg5[%multiple_of3A_114] : memref<10000xi32, #tpu.memory_space<vmem>> -> memref<16xi32, #tpu.memory_space<vmem>>
    %dma_start3A_116 = arith.constant 0 : i32
    %dma_start3A_117 = arith.constant 0 : i32
    %dma_start3A_118 = tpu.memref_slice %arg2[%dma_start3A_116, %dma_start3A_117] : memref<10000x128xf32, #tpu.memory_space<hbm>> -> memref<10000x128xf32, #tpu.memory_space<hbm>>
    tpu.enqueue_indirect_dma source(%dma_start3A_118 : memref<10000x128xf32, #tpu.memory_space<hbm>>) target(%arg11 : memref<16x128xf32, #tpu.memory_space<vmem>>) offsets(%dma_start3A_115 : memref<16xi32, #tpu.memory_space<vmem>>) semaphore(%arg19 : memref<!tpu.dma_semaphore, #tpu.memory_space<semaphore_mem>>)
    %add3A_119 = arith.addi %multiple_of3A_7, %multiple_of3A_114 : i32
    %dma_start3A_120 = tpu.memref_slice %arg3[%add3A_119] : memref<640000xi32, #tpu.memory_space<hbm>> -> memref<16xi32, #tpu.memory_space<hbm>>
    %dma_start3A_121 = tpu.memref_slice %arg3[%add3A_119] : memref<640000xi32, #tpu.memory_space<hbm>> -> memref<16xi32, #tpu.memory_space<hbm>>
    tpu.enqueue_dma source(%dma_start3A_121 : memref<16xi32, #tpu.memory_space<hbm>>) target(%arg8 : memref<16xi32, #tpu.memory_space<vmem>>) target_semaphore(%arg20 : memref<!tpu.dma_semaphore, #tpu.memory_space<semaphore_mem>>)
    %dma_wait3A_122 = arith.constant 0 : i32
    %dma_wait3A_123 = arith.constant 0 : i32
    %dma_wait3A_124 = tpu.memref_slice %arg2[%dma_wait3A_122, %dma_wait3A_123] : memref<10000x128xf32, #tpu.memory_space<hbm>> -> memref<128x128xf32, #tpu.memory_space<hbm>>
    %dma_wait3A_125 = arith.constant 0 : i32
    %dma_wait3A_126 = arith.constant 0 : i32
    %dma_wait3A_127 = tpu.memref_slice %arg2[%dma_wait3A_125, %dma_wait3A_126] : memref<10000x128xf32, #tpu.memory_space<hbm>> -> memref<128x128xf32, #tpu.memory_space<hbm>>
    tpu.wait_dma2 semaphore(%arg13 : memref<!tpu.dma_semaphore, #tpu.memory_space<semaphore_mem>>) src(%dma_wait3A_127 : memref<128x128xf32, #tpu.memory_space<hbm>>) dst(%arg9 : memref<128x128xf32, #tpu.memory_space<vmem>>)
    %dma_wait3A_128 = arith.constant 0 : i32
    %dma_wait3A_129 = tpu.memref_slice %arg3[%dma_wait3A_128] : memref<640000xi32, #tpu.memory_space<hbm>> -> memref<128xi32, #tpu.memory_space<hbm>>
    %dma_wait3A_130 = arith.constant 0 : i32
    %dma_wait3A_131 = tpu.memref_slice %arg3[%dma_wait3A_130] : memref<640000xi32, #tpu.memory_space<hbm>> -> memref<128xi32, #tpu.memory_space<hbm>>
    tpu.wait_dma2 semaphore(%arg15 : memref<!tpu.dma_semaphore, #tpu.memory_space<semaphore_mem>>) src(%dma_wait3A_131 : memref<128xi32, #tpu.memory_space<hbm>>) dst(%arg6 : memref<128xi32, #tpu.memory_space<vmem>>)
    "tpu.region"() ({
      %run_scoped3A = tpu.sem_alloc : memref<!tpu.dma_semaphore, #tpu.memory_space<semaphore_mem>>
      %dma_start3A_153 = arith.constant 0 : i32
      %dma_start3A_154 = arith.constant 0 : i32
      %dma_start3A_155 = tpu.memref_slice %arg12[%dma_start3A_153, %dma_start3A_154] : memref<10112x128xf32, #tpu.memory_space<vmem_shared>> -> memref<10112x128xf32, #tpu.memory_space<vmem_shared>>
      tpu.enqueue_indirect_dma source(%arg9 : memref<128x128xf32, #tpu.memory_space<vmem>>) target(%dma_start3A_155 : memref<10112x128xf32, #tpu.memory_space<vmem_shared>>) offsets(%arg6 : memref<128xi32, #tpu.memory_space<vmem>>) semaphore(%run_scoped3A : memref<!tpu.dma_semaphore, #tpu.memory_space<semaphore_mem>>) {add = true}
      %dma_wait3A_156 = arith.constant 0 : i32
      %dma_wait3A_157 = arith.constant 0 : i32
      %dma_wait3A_158 = tpu.memref_slice %arg12[%dma_wait3A_156, %dma_wait3A_157] : memref<10112x128xf32, #tpu.memory_space<vmem_shared>> -> memref<10112x128xf32, #tpu.memory_space<vmem_shared>>
      tpu.wait_indirect_dma semaphore(%run_scoped3A : memref<!tpu.dma_semaphore, #tpu.memory_space<semaphore_mem>>) src(%arg9 : memref<128x128xf32, #tpu.memory_space<vmem>>) dst(%dma_wait3A_158 : memref<10112x128xf32, #tpu.memory_space<vmem_shared>>)
      tpu.yield
    }) : () -> ()
    %dma_wait3A_132 = arith.constant 0 : i32
    %dma_wait3A_133 = arith.constant 0 : i32
    %dma_wait3A_134 = tpu.memref_slice %arg2[%dma_wait3A_132, %dma_wait3A_133] : memref<10000x128xf32, #tpu.memory_space<hbm>> -> memref<128x128xf32, #tpu.memory_space<hbm>>
    %dma_wait3A_135 = arith.constant 0 : i32
    %dma_wait3A_136 = arith.constant 0 : i32
    %dma_wait3A_137 = tpu.memref_slice %arg2[%dma_wait3A_135, %dma_wait3A_136] : memref<10000x128xf32, #tpu.memory_space<hbm>> -> memref<128x128xf32, #tpu.memory_space<hbm>>
    tpu.wait_dma2 semaphore(%arg14 : memref<!tpu.dma_semaphore, #tpu.memory_space<semaphore_mem>>) src(%dma_wait3A_137 : memref<128x128xf32, #tpu.memory_space<hbm>>) dst(%arg10 : memref<128x128xf32, #tpu.memory_space<vmem>>)
    %dma_wait3A_138 = arith.constant 0 : i32
    %dma_wait3A_139 = tpu.memref_slice %arg3[%dma_wait3A_138] : memref<640000xi32, #tpu.memory_space<hbm>> -> memref<128xi32, #tpu.memory_space<hbm>>
    %dma_wait3A_140 = arith.constant 0 : i32
    %dma_wait3A_141 = tpu.memref_slice %arg3[%dma_wait3A_140] : memref<640000xi32, #tpu.memory_space<hbm>> -> memref<128xi32, #tpu.memory_space<hbm>>
    tpu.wait_dma2 semaphore(%arg16 : memref<!tpu.dma_semaphore, #tpu.memory_space<semaphore_mem>>) src(%dma_wait3A_141 : memref<128xi32, #tpu.memory_space<hbm>>) dst(%arg7 : memref<128xi32, #tpu.memory_space<vmem>>)
    "tpu.region"() ({
      %run_scoped3A = tpu.sem_alloc : memref<!tpu.dma_semaphore, #tpu.memory_space<semaphore_mem>>
      %dma_start3A_153 = arith.constant 0 : i32
      %dma_start3A_154 = arith.constant 0 : i32
      %dma_start3A_155 = tpu.memref_slice %arg12[%dma_start3A_153, %dma_start3A_154] : memref<10112x128xf32, #tpu.memory_space<vmem_shared>> -> memref<10112x128xf32, #tpu.memory_space<vmem_shared>>
      tpu.enqueue_indirect_dma source(%arg10 : memref<128x128xf32, #tpu.memory_space<vmem>>) target(%dma_start3A_155 : memref<10112x128xf32, #tpu.memory_space<vmem_shared>>) offsets(%arg7 : memref<128xi32, #tpu.memory_space<vmem>>) semaphore(%run_scoped3A : memref<!tpu.dma_semaphore, #tpu.memory_space<semaphore_mem>>) {add = true}
      %dma_wait3A_156 = arith.constant 0 : i32
      %dma_wait3A_157 = arith.constant 0 : i32
      %dma_wait3A_158 = tpu.memref_slice %arg12[%dma_wait3A_156, %dma_wait3A_157] : memref<10112x128xf32, #tpu.memory_space<vmem_shared>> -> memref<10112x128xf32, #tpu.memory_space<vmem_shared>>
      tpu.wait_indirect_dma semaphore(%run_scoped3A : memref<!tpu.dma_semaphore, #tpu.memory_space<semaphore_mem>>) src(%arg10 : memref<128x128xf32, #tpu.memory_space<vmem>>) dst(%dma_wait3A_158 : memref<10112x128xf32, #tpu.memory_space<vmem_shared>>)
      tpu.yield
    }) : () -> ()
    %dma_wait3A_142 = arith.constant 0 : i32
    %dma_wait3A_143 = arith.constant 0 : i32
    %dma_wait3A_144 = tpu.memref_slice %arg2[%dma_wait3A_142, %dma_wait3A_143] : memref<10000x128xf32, #tpu.memory_space<hbm>> -> memref<16x128xf32, #tpu.memory_space<hbm>>
    %dma_wait3A_145 = arith.constant 0 : i32
    %dma_wait3A_146 = arith.constant 0 : i32
    %dma_wait3A_147 = tpu.memref_slice %arg2[%dma_wait3A_145, %dma_wait3A_146] : memref<10000x128xf32, #tpu.memory_space<hbm>> -> memref<16x128xf32, #tpu.memory_space<hbm>>
    tpu.wait_dma2 semaphore(%arg19 : memref<!tpu.dma_semaphore, #tpu.memory_space<semaphore_mem>>) src(%dma_wait3A_147 : memref<16x128xf32, #tpu.memory_space<hbm>>) dst(%arg11 : memref<16x128xf32, #tpu.memory_space<vmem>>)
    %dma_wait3A_148 = arith.constant 0 : i32
    %dma_wait3A_149 = tpu.memref_slice %arg3[%dma_wait3A_148] : memref<640000xi32, #tpu.memory_space<hbm>> -> memref<16xi32, #tpu.memory_space<hbm>>
    %dma_wait3A_150 = arith.constant 0 : i32
    %dma_wait3A_151 = tpu.memref_slice %arg3[%dma_wait3A_150] : memref<640000xi32, #tpu.memory_space<hbm>> -> memref<16xi32, #tpu.memory_space<hbm>>
    tpu.wait_dma2 semaphore(%arg20 : memref<!tpu.dma_semaphore, #tpu.memory_space<semaphore_mem>>) src(%dma_wait3A_151 : memref<16xi32, #tpu.memory_space<hbm>>) dst(%arg8 : memref<16xi32, #tpu.memory_space<vmem>>)
    "tpu.region"() ({
      %run_scoped3A = tpu.sem_alloc : memref<!tpu.dma_semaphore, #tpu.memory_space<semaphore_mem>>
      %dma_start3A_153 = arith.constant 0 : i32
      %dma_start3A_154 = arith.constant 0 : i32
      %dma_start3A_155 = tpu.memref_slice %arg12[%dma_start3A_153, %dma_start3A_154] : memref<10112x128xf32, #tpu.memory_space<vmem_shared>> -> memref<10112x128xf32, #tpu.memory_space<vmem_shared>>
      tpu.enqueue_indirect_dma source(%arg11 : memref<16x128xf32, #tpu.memory_space<vmem>>) target(%dma_start3A_155 : memref<10112x128xf32, #tpu.memory_space<vmem_shared>>) offsets(%arg8 : memref<16xi32, #tpu.memory_space<vmem>>) semaphore(%run_scoped3A : memref<!tpu.dma_semaphore, #tpu.memory_space<semaphore_mem>>) {add = true}
      %dma_wait3A_156 = arith.constant 0 : i32
      %dma_wait3A_157 = arith.constant 0 : i32
      %dma_wait3A_158 = tpu.memref_slice %arg12[%dma_wait3A_156, %dma_wait3A_157] : memref<10112x128xf32, #tpu.memory_space<vmem_shared>> -> memref<10112x128xf32, #tpu.memory_space<vmem_shared>>
      tpu.wait_indirect_dma semaphore(%run_scoped3A : memref<!tpu.dma_semaphore, #tpu.memory_space<semaphore_mem>>) src(%arg11 : memref<16x128xf32, #tpu.memory_space<vmem>>) dst(%dma_wait3A_158 : memref<10112x128xf32, #tpu.memory_space<vmem_shared>>)
      tpu.yield
    }) : () -> ()
    %barrier3A_152 = arith.constant 0 : index
    tpu.barrier barrier_id(%barrier3A_152)
    "tpu.region"() ({
      %run_scoped3A = tpu.sem_alloc : memref<!tpu.dma_semaphore, #tpu.memory_space<semaphore_mem>>
      %dma_start3A_153 = arith.constant 0 : i32
      %dma_start3A_154 = tpu.memref_slice %arg4[%arg0, %multiple_of3A_17, %dma_start3A_153] : memref<2x10112x128xf32, #tpu.memory_space<hbm>> -> memref<1x632x128xf32, #tpu.memory_space<hbm>>
      %dma_start3A_155 = tpu.memref_squeeze %dma_start3A_154 : memref<1x632x128xf32, #tpu.memory_space<hbm>> -> memref<632x128xf32, #tpu.memory_space<hbm>>
      %dma_start3A_156 = arith.constant 0 : i32
      %dma_start3A_157 = tpu.memref_slice %arg12[%multiple_of3A_17, %dma_start3A_156] : memref<10112x128xf32, #tpu.memory_space<vmem_shared>> -> memref<632x128xf32, #tpu.memory_space<vmem_shared>>
      tpu.enqueue_dma source(%dma_start3A_157 : memref<632x128xf32, #tpu.memory_space<vmem_shared>>) target(%dma_start3A_155 : memref<632x128xf32, #tpu.memory_space<hbm>>) target_semaphore(%run_scoped3A : memref<!tpu.dma_semaphore, #tpu.memory_space<semaphore_mem>>)
      %dma_wait3A_158 = arith.constant 0 : i32
      %dma_wait3A_159 = tpu.memref_slice %arg4[%arg0, %multiple_of3A_17, %dma_wait3A_158] : memref<2x10112x128xf32, #tpu.memory_space<hbm>> -> memref<1x632x128xf32, #tpu.memory_space<hbm>>
      %dma_wait3A_160 = tpu.memref_squeeze %dma_wait3A_159 : memref<1x632x128xf32, #tpu.memory_space<hbm>> -> memref<632x128xf32, #tpu.memory_space<hbm>>
      %dma_wait3A_161 = arith.constant 0 : i32
      %dma_wait3A_162 = tpu.memref_slice %arg12[%multiple_of3A_17, %dma_wait3A_161] : memref<10112x128xf32, #tpu.memory_space<vmem_shared>> -> memref<632x128xf32, #tpu.memory_space<vmem_shared>>
      tpu.wait_dma2 semaphore(%run_scoped3A : memref<!tpu.dma_semaphore, #tpu.memory_space<semaphore_mem>>) src(%dma_wait3A_162 : memref<632x128xf32, #tpu.memory_space<vmem_shared>>) dst(%dma_wait3A_160 : memref<632x128xf32, #tpu.memory_space<hbm>>)
      tpu.yield
    }) : () -> ()
    return
  }
}

module attributes {stable_mosaic.version = 14 : i64} {
  func.func @_mm_body(%arg0: i32, %arg1: memref<2x2000x128xf32, #tpu.memory_space<vmem>>, %arg2: memref<128x128xf32, #tpu.memory_space<vmem>>, %arg3: memref<1x128xf32, #tpu.memory_space<vmem>>, %arg4: memref<2000x128xf32, #tpu.memory_space<vmem>>) attributes {dimension_semantics = [#tpu.dimension_semantics<arbitrary>], iteration_bounds = array<i64: 5>, scalar_prefetch = 0 : i64, scratch_operands = 0 : i64, tpu.core_type = #tpu.core_type<tc>, window_params = [{transform_indices = @transform_0, window_bounds = array<i64: 2, 2000, 128>}, {pipeline_mode = #tpu.pipeline_mode<synchronous>, transform_indices = @transform_1, window_bounds = array<i64: 128, 128>}, {pipeline_mode = #tpu.pipeline_mode<synchronous>, transform_indices = @transform_2, window_bounds = array<i64: 1, 128>}, {transform_indices = @transform_3, window_bounds = array<i64: 2000, 128>}]} {
    %get3A = arith.constant 0 : index
    %get3A_0 = arith.constant 0 : index
    %get3A_1 = arith.constant 0 : index
    %get3A_2 = vector.load %arg1[%get3A, %get3A_0, %get3A_1] : memref<2x2000x128xf32, #tpu.memory_space<vmem>>, vector<1x2000x128xf32>
    %get3A_3 = vector.shape_cast %get3A_2 : vector<1x2000x128xf32> to vector<2000x128xf32>
    %get3A_4 = arith.constant 1 : index
    %get3A_5 = arith.constant 0 : index
    %get3A_6 = arith.constant 0 : index
    %get3A_7 = vector.load %arg1[%get3A_4, %get3A_5, %get3A_6] : memref<2x2000x128xf32, #tpu.memory_space<vmem>>, vector<1x2000x128xf32>
    %get3A_8 = vector.shape_cast %get3A_7 : vector<1x2000x128xf32> to vector<2000x128xf32>
    %add3A = arith.addf %get3A_3, %get3A_8 : vector<2000x128xf32>
    %get3A_9 = arith.constant 0 : index
    %get3A_10 = arith.constant 0 : index
    %get3A_11 = vector.load %arg2[%get3A_9, %get3A_10] : memref<128x128xf32, #tpu.memory_space<vmem>>, vector<128x128xf32>
    %dot_general3A = arith.constant dense<0.000000e+00> : vector<2000x128xf32>
    %dot_general3A_12 = tpu.matmul %add3A, %get3A_11, %dot_general3A {dimension_numbers = #tpu.dot_dimension_numbers<[1], [1], [0], [0], [0, 0, 1, 0], [], []>, transpose_lhs_hint = false} : vector<2000x128xf32>, vector<128x128xf32>, vector<2000x128xf32> -> vector<2000x128xf32>
    %get3A_13 = arith.constant 0 : index
    %get3A_14 = arith.constant 0 : index
    %get3A_15 = vector.load %arg3[%get3A_13, %get3A_14] : memref<1x128xf32, #tpu.memory_space<vmem>>, vector<1x128xf32>
    %add3A_16 = vector.broadcast %get3A_15 : vector<1x128xf32> to vector<2000x128xf32>
    %add3A_17 = arith.addf %dot_general3A_12, %add3A_16 : vector<2000x128xf32>
    %swap3A = arith.constant 0 : index
    %swap3A_18 = arith.constant 0 : index
    %swap3A_19 = vector.load %arg4[%swap3A, %swap3A_18] : memref<2000x128xf32, #tpu.memory_space<vmem>>, vector<2000x128xf32>
    tpu.vector_store %arg4[%swap3A, %swap3A_18], %add3A_17 {strides = array<i32>} : memref<2000x128xf32, #tpu.memory_space<vmem>>, vector<2000x128xf32>,
    return
  }
  func.func @transform_0(%arg0: i32) -> (i32, i32, i32) {
    %c0_i32 = arith.constant 0 : i32
    %c0_i32_0 = arith.constant 0 : i32
    %c0_i32_1 = arith.constant 0 : i32
    return %c0_i32, %arg0, %c0_i32_0 : i32, i32, i32
  }
  func.func @transform_1(%arg0: i32) -> (i32, i32) {
    %c0_i32 = arith.constant 0 : i32
    %c0_i32_0 = arith.constant 0 : i32
    %c0_i32_1 = arith.constant 0 : i32
    return %c0_i32, %c0_i32_0 : i32, i32
  }
  func.func @transform_2(%arg0: i32) -> (i32, i32) {
    %c0_i32 = arith.constant 0 : i32
    %c0_i32_0 = arith.constant 0 : i32
    %c0_i32_1 = arith.constant 0 : i32
    return %c0_i32, %c0_i32_0 : i32, i32
  }
  func.func @transform_3(%arg0: i32) -> (i32, i32) {
    %c0_i32 = arith.constant 0 : i32
    %c0_i32_0 = arith.constant 0 : i32
    return %arg0, %c0_i32 : i32, i32
  }
}

</mosaic_0001>

<sc_bundles>
// kernel: kernel.4.cloned.1.call-start
scs
__scs_entry_jumppad:
0x0: {  	(pc) =	sbr.rel $0x88, $3  }
0x1: {  	(tag) =	ssettag $0x0;
	lr =	simm.s32 $0x1  }
0x2: {  	[smem:$0x3F9D] =	sst lr;
	_ =	strace $0xD0000000  }
0x3: {  	_ = 	snop  }
0x4: {  	_ = 	snop  }
0x5: {  	_ = 	snop  }
0x6: {  	_ = 	snop  }
0x7: {  	_ = 	snop  }
__scs_overlays_trampoline_lowered:
0x8: {  	[smem:$0x3FAC] =	sst s0  }
0x9: {  	[smem:$0x3FAD] =	sst s1  }
0xa: {  	[smem:$0x3FAE] =	sst s2  }
0xb: {  	[smem:$0x3FAF] =	sst s3  }
0xc: {  	[smem:$0x3FB0] =	sst s4  }
0xd: {  	[smem:$0x3FB1] =	sst s5  }
0xe: {  	[smem:$0x3FB2] =	sst s6  }
0xf: {  	[smem:$0x3FB3] =	sst s7  }
0x10: {  	[smem:$0x3FB4] =	sst s8  }
0x11: {  	[smem:$0x3FB5] =	sst s9;
	s0 =	simm.s32 @!p0 $0x0  }
0x12: {  	s1 =	sld [smem:$0x3F9B];
	s0 =	simm.s32 @p0 $0x1  }
0x13: {  	[smem:$0x3FB6] =	sst s0;
	s0 =	simm.s32 @!p1 $0x0  }
0x14: {  	s2 =	sld [smem:$0x3F9A];
	s0 =	simm.s32 @p1 $0x1  }
0x15: {  	[smem:$0x3FB7] =	sst s0;
	s0 =	simm.s32 @!p2 $0x0  }
0x16: {  	s3 =	sld [smem:$0x3FDB];
	s0 =	simm.s32 @p2 $0x1  }
0x17: {  	s4 =	simm.s32 $0x1BF5;
	[smem:$0x3FB9] =	sst s0  }
0x18: {  	s0 =	sld [smem:$0x3F9C];
	_ =	swait.ge [sflag:s4], $0x0  }
0x19: {  	s7 =	sld [smem:$0x3F9D]  }
0x1a: {  	s8 =	sadd.s32 $0xFFFFE003, lr  }
0x1b: {  	s9 =	sadd.s32 $0xFFFFFEF7, lr;
	s5 =	simm.s32 $0xFFFFFFFF;
	p2 =	slt.u32 s8, $0xFFFFF086  }
0x1c: {  	p1 =	slt.u32 s9, $0xF7A;
	s5 =	simm.s32 @!p2 $0x0  }
0x1d: {  	s5 =	simm.s32 @p1 $0x1;
	p0 =	seq.s32 s7, s2  }
0x1e: {  	s7 =	smul.u32 @!p0 $0xF7A, s2;
	p2 =	seq.s32 @!p0 s5, $0x0  }
0x1f: {  	s9 =	smul.u32 $0xF7A, s1;
	s8 =	simm.s32 @!p0 $0x1BF5;
	p2 =	por !p2, p0  }
0x20: {  	[sflag:s8] =	ssyncset.s32 @!p0 $0xFFFFF086;
	s6 =	sadd.s32 @!p0 s3, s7;
	s7 =	simm.s32 @!p0 $0x108  }
0x21: {  	s3 =	sadd.s32 s3, s9;
	s6 =	sadd.s32 @!p0 $0x88, s6;
	s7 =	simm.s32 @p2 $0x1082  }
0x22: {  	[simem:s7], [sflag:s8] =	dma.local @!p0 [hbm:s6], $0xF7A  }
0x23: {  	s9 =	sor.u32 $0xD0000000, s2;
	s6 =	simm.s32 $0x108;
	_ =	swait.ge @!p0 [sflag:s8], $0x0  }
0x24: {  	s3 =	sadd.s32 $0x88, s3;
	s6 =	simm.s32 @!p1 $0x1082;
	[sflag:s4] =	ssyncset.s32 $0xFFFFF086  }
0x25: {  	[simem:s6], [sflag:s4] =	dma.local [hbm:s3], $0xF7A  }
0x26: {  	[smem:$0x3F9D] =	sst s1;
	(tag) =	ssettag s2;
	_ =	strace s9  }
0x27: {  	s1 =	sld [smem:$0x3FAD]  }
0x28: {  	s2 =	sld [smem:$0x3FAE]  }
0x29: {  	s4 =	sld [smem:$0x3FB0]  }
0x2a: {  	p0 =	seq.s32 s5, $0x0;
	s5 =	sld [smem:$0x3FB1]  }
0x2b: {  	s6 =	sld [smem:$0x3FB2]  }
0x2c: {  	s7 =	sld [smem:$0x3FB3]  }
0x2d: {  	s3 =	simm.s32 $0x108;
	s8 =	sld [smem:$0x3FB4]  }
0x2e: {  	s3 =	simm.s32 @!p0 $0x1082;
	s9 =	sld [smem:$0x3FB5]  }
0x2f: {  	lr =	sadd.s32 s0, s3;
	s0 =	sld [smem:$0x3FAC]  }
0x30: {  	s3 =	sld [smem:$0x3FAF]  }
0x31: {  	[smem:$0x3FB8] =	sst s10  }
0x32: {  	s10 =	sld [smem:$0x3FB6];
	_ =	sdelay $0x3  }
0x33: {  	p0 =	seq.s32 s10, $0x1;
	s10 =	sld [smem:$0x3FB8];
	_ =	sdelay $0x3  }
0x34: {  	[smem:$0x3FB8] =	sst s10  }
0x35: {  	s10 =	sld [smem:$0x3FB7];
	_ =	sdelay $0x3  }
0x36: {  	p1 =	seq.s32 s10, $0x1;
	s10 =	sld [smem:$0x3FB8];
	_ =	sdelay $0x3  }
0x37: {  	[smem:$0x3FB8] =	sst s10  }
0x38: {  	s10 =	sld [smem:$0x3FB9]  }
0x39: {  	_ = 	snop;
	(pc) =	sbr.ind lr, $3  }
0x3a: {  	_ = 	snop  }
0x3b: {  	_ = 	snop  }
0x3c: {  	p2 =	seq.s32 s10, $0x1;
	s10 =	sld [smem:$0x3FB8]  }
0x3d: {  	_ =	shalt  }
0x3e: {  	_ =	shalt  }
0x3f: {  	_ =	shalt  }
0x40: {  	_ =	shalt  }
0x41: {  	_ =	shalt  }
0x42: {  	_ =	shalt  }
0x43: {  	_ =	shalt  }
0x44: {  	_ =	shalt  }
0x45: {  	_ =	shalt  }
0x46: {  	_ =	shalt  }
0x47: {  	_ =	shalt  }
0x48: {  	_ =	shalt  }
0x49: {  	_ =	shalt  }
0x4a: {  	_ =	shalt  }
0x4b: {  	_ =	shalt  }
0x4c: {  	_ =	shalt  }
0x4d: {  	_ =	shalt  }
0x4e: {  	_ =	shalt  }
0x4f: {  	_ =	shalt  }
0x50: {  	_ =	shalt  }
0x51: {  	_ =	shalt  }
0x52: {  	_ =	shalt  }
0x53: {  	_ =	shalt  }
0x54: {  	_ =	shalt  }
0x55: {  	_ =	shalt  }
0x56: {  	_ =	shalt  }
0x57: {  	_ =	shalt  }
0x58: {  	_ =	shalt  }
0x59: {  	_ =	shalt  }
0x5a: {  	_ =	shalt  }
0x5b: {  	_ =	shalt  }
0x5c: {  	_ =	shalt  }
0x5d: {  	_ =	shalt  }
0x5e: {  	_ =	shalt  }
0x5f: {  	_ =	shalt  }
0x60: {  	_ =	shalt  }
0x61: {  	_ =	shalt  }
0x62: {  	_ =	shalt  }
0x63: {  	_ =	shalt  }
0x64: {  	_ =	shalt  }
0x65: {  	_ =	shalt  }
0x66: {  	_ =	shalt  }
0x67: {  	_ =	shalt  }
0x68: {  	_ =	shalt  }
0x69: {  	_ =	shalt  }
0x6a: {  	_ =	shalt  }
0x6b: {  	_ =	shalt  }
0x6c: {  	_ =	shalt  }
0x6d: {  	_ =	shalt  }
0x6e: {  	_ =	shalt  }
0x6f: {  	_ =	shalt  }
0x70: {  	_ =	shalt  }
0x71: {  	_ =	shalt  }
0x72: {  	_ =	shalt  }
0x73: {  	_ =	shalt  }
0x74: {  	_ =	shalt  }
0x75: {  	_ =	shalt  }
0x76: {  	_ =	shalt  }
0x77: {  	_ =	shalt  }
0x78: {  	_ =	shalt  }
0x79: {  	_ =	shalt  }
0x7a: {  	_ =	shalt  }
0x7b: {  	_ =	shalt  }
0x7c: {  	_ =	shalt  }
0x7d: {  	_ =	shalt  }
0x7e: {  	_ =	shalt  }
0x7f: {  	_ =	shalt  }
0x80: {  	_ =	shalt  }
0x81: {  	_ =	shalt  }
0x82: {  	_ =	shalt  }
0x83: {  	_ =	shalt  }
0x84: {  	_ =	shalt  }
0x85: {  	_ =	shalt  }
0x86: {  	_ =	shalt  }
0x87: {  	_ =	shalt  }
.Lfunc_end0:
.L_simem_size_0:
called_computation_lowered:
.L_overlay_start_0:
0x88: {  	s2 =	sld [smem:$0x3FD9]  }
0x89: {  	s3 =	sld [smem:$0x3FFE];
	_ =	sdelay $0x1  }
0x8a: {  	s1 =	srdreg.scid  }
0x8b: {  	s0 =	sand.u32 $0x1, s1  }
0x8c: {  	s17 =	sshll.u32 s0, $0xA;
	s2 =	sadd.s32 s3, s2  }
0x8d: {  	s2 =	sadd.s32 s2, s17  }
0x8e: {  	[smem:$0x3FC4] =	sst s2  }
0x8f: {  	_ = 	snop  }
0x90: {  	s2 =	sld [smem:$0x3FC9]  }
0x91: {  	s18 =	sld [smem:$0x3FD0];
	(tm) =	ssettm $0x1  }
0x92: {  	s4 =	sld [smem:$0x3FFB];
	_ =	sdelay $0x3  }
0x93: {  	_ =	strace s4  }
0x94: {  	s4 =	sld [smem:$0x3FFC];
	_ =	sdelay $0x3  }
0x95: {  	_ =	strace s4  }
0x96: {  	s4 =	sld [smem:$0x3FFD];
	_ =	sdelay $0x3  }
0x97: {  	_ =	strace s4  }
0x98: {  	_ =	strace $0x8FFFFFFF  }
0x99: {  	s19 =	sld [smem:$0x3FDB];
	_ =	sdelay $0x1  }
0x9a: {  	s5 =	simm.s32 $_scs_section_size  }
0x9b: {  	s6 =	simm.s32 $_size__tile_overlayer_lowered;
	s7 =	simm.s32 $_tile_overlayer_lowered  }
0x9c: {  	s22 =	simm.s32 $0x1BFF;
	s21 =	sshll.u32 s7, $0x1;
	s4 =	sadd.s32 s5, s19  }
0x9d: {  	s8 =	simm.s32 $0x0;
	s20 =	sshll.u32 s6, $0x1;
	s6 =	sadd.s32 s21, s4  }
0x9e: {  	[timem:s8], [sflag:s22] =	dma.local [hbm:s6], s20  }
0x9f: {  	_ =	swait.ge [sflag:s22], s20  }
0xa0: {  	s5 =	ssub.s32 $0x0, s20;
	[sflag:s22] =	ssyncset.done $0x0  }
0xa1: {  	[sflag:s22] =	ssyncadd.s32 s5;
	_ =	sdelay $0x1  }
0xa2: {  	s23 =	simm.s32 $0x1B8B  }
0xa3: {  	_ =	swait.ge [sflag:s23], $0x1  }
0xa4: {  	[sflag:s23] =	ssyncset.done $0x0  }
0xa5: {  	s25 =	simm.s32 $0x1B8E;
	s24 =	sld [smem:$0x3FFE];
	[sflag:s23] =	ssyncadd.s32 $0xFFFFFFFF  }
0xa6: {  	s26 =	simm.s32 $execute0_lowered;
	[smem:$0x3FD2] =	sst s25  }
0xa7: {  	s6 =	sshll.u32 s26, $0x1;
	_ =	strace $0x80000046;
	[dreg:$0x1] =	wrdreg $0xFFFFFFFF  }
0xa8: {  	s28 =	simm.s32 $_size_execute0_lowered;
	s4 =	sadd.s32 s4, s6;
	[dreg:$0x0] =	wrdreg $0x0  }
0xa9: {  	s6 =	sshll.u32 s28, $0x1;
	[dreg:$0x2] =	wrdreg s4  }
0xaa: {  	[dreg:$0x3] =	wrdreg s6  }
0xab: {  	[dreg:$0x4] =	wrdreg $0xC0  }
0xac: {  	_ =	task [dreg:s8], $0x5FFFF  }
0xad: {  	[dreg:$0x1] =	wrdreg $0xFFFFFFFF  }
0xae: {  	[dreg:$0x0] =	wrdreg $0x60  }
0xaf: {  	[dreg:$0x2] =	wrdreg s2  }
0xb0: {  	[dreg:$0x3] =	wrdreg s18  }
0xb1: {  	[dreg:$0x4] =	wrdreg s24  }
0xb2: {  	[dreg:$0x5] =	wrdreg $0xB1000  }
0xb3: {  	[dreg:$0x6] =	wrdreg $0x9  }
0xb4: {  	_ =	task.clear_ibuf [dreg:s8], $0x7FFFF;
	_ =	strace $0x90000046  }
0xb5: {  	s29 =	simm.s32 $0x9;
	_ =	strace $0x80000048  }
0xb6: {  	_ =	swait.ge [sflag:s29], $0x1  }
0xb7: {  	[sflag:s29] =	ssyncadd.s32 $0xFFFFFFFF  }
0xb8: {  	_ =	strace $0x90000048  }
0xb9: {  	_ =	sfence  }
0xba: {  	s30 =	sld [smem:$0x0];
	_ =	sdelay $0x2  }
0xbb: {  	s31 =	sshll.u32 s1, $0xD;
	s1 =	sshrl.u32 s1, $0x2  }
0xbc: {  	s3 =	sand.u32 $0x4000, s31;
	s1 =	sadd.s32 s1, s30  }
0xbd: {  	s0 =	sor.u32 s3, s0;
	s1 =	sshll.u32 s1, $0x11  }
0xbe: {  	s0 =	sor.u32 s1, s0  }
0xbf: {  	s0 =	sadd.s32 $0x8F2B, s0  }
0xc0: {  	[sflag:s0] =	ssyncadd.remote.s32 $0x1  }
0xc1: {  	_ =	sfence.sel $0xFFFF  }
0xc2: {  	[dreg:$0x0] =	wrdreg $0xFFFFFFFF;
	(pc) =	sbr.abs _section_cstart, $3  }
0xc3: {  	[dreg:$0x1] =	wrdreg $0xFFFFFFFF  }
0xc4: {  	_ =	task.clear_ibuf [dreg:s8], $0x2FFFF;
	_ =	strace $0x9FFFFFFF  }
0xc5: {  	(tm) =	ssettm $0x7FFFFFFF  }
tec
execute0_lowered:
.L_overlay_start_1:
0x0: {  	(tag) =	ssettag $0x1  }
0x1: {  	s0 =	rddreg [dreg:$0x0]  }
0x2: {  	s1 =	rddreg [dreg:$0x1]  }
0x3: {  	s2 =	srdreg.scid;
	s5 =	rddreg [dreg:$0x2]  }
0x4: {  	s11 =	stileid.u32;
	s3 =	rddreg [dreg:$0x3]  }
0x5: {  	s4 =	simm.s32 $0x0;
	s28 =	simm.s32 $0x9;
	s7 =	smul.u32 $0x13C00, s11  }
0x6: {  	s29 =	simm.s32 $0x2;
	s30 =	simm.s32 $0x4;
	s9 =	smul.u32 $0x4F000, s11  }
0x7: {  	s31 =	simm.s32 $0x10;
	s2 =	sand.u32 $0x1, s2;
	s21 =	smul.u32 $0x2710, s11  }
0x8: {  	[smem:$0x7FF] =	sst s4;
	s6 =	smul.u32 $0x13C000, s2;
	s8 =	sshll.u32 s2, $0x4  }
0x9: {  	s15 =	ssub.s32 $0x2, s2;
	_ =	strace $0x80000047;
	s2 =	smul.u32 $0x27100, s2  }
0xa: {  	s8 =	sor.u32 s11, s8;
	s16 =	sshrl.u32 s15, $0x1;
	s18 =	sshrl.u32 s9, $0x2  }
0xb: {  	s9 =	simm.s32 $0x0;
	s6 =	sadd.s32 s7, s6;
	s14 =	smul.u32 $0x2710, s8  }
0xc: {  	s8 =	ssub.s32 s15, s16;
	s2 =	sadd.s32 s21, s2;
	s21 =	simm.s32 $0x1  }
0xd: {  	s6 =	sshrl.u32 s6, $0x3;
	s7 =	sadd.s32 $0x4E380, s2;
	s2 =	sadd.s32 $0x4E300, s2  }
0xe: {  	s15 =	smax.u32 s8, $0x1;
	s8 =	simm.s32 $0x8;
	s10 =	sadd.s32 s6, s5  }
0xf: {  	s17 =	sshrl.u32 s14, $0x3;
	s6 =	sadd.s32 s18, s3;
	s7 =	sshrl.u32 s7, $0x3  }
0x10: {  	s2 =	sshrl.u32 s2, $0x3;
	s18 =	simm.s32 $0x2900;
	s5 =	sadd.s32 s1, s17  }
0x11: {  	s19 =	sadd.s32 $0x4000, s6;
	s20 =	sadd.s32 $0x8000, s6;
	s22 =	sadd.s32 $0xC000, s6  }
0x12: {  	s23 =	sadd.s32 $0x10000, s6;
	s14 =	sadd.s32 $0xA00, s10;
	[dreg:$0x5] =	wrdreg s19  }
0x13: {  	s16 =	sadd.s32 s7, s1;
	s17 =	sadd.s32 s2, s1;
	[dreg:$0x6] =	wrdreg s20  }
0x14: {  	s1 =	simm.s32 $0xA900;
	s2 =	simm.s32 $0x2880;
	[dreg:$0x7] =	wrdreg s22  }
0x15: {  	s7 =	simm.s32 $0x7;
	[dreg:$0x8] =	wrdreg s23;
	s24 =	sadd.s32 $0x9C40, s5  }
0x16: {  	s25 =	sadd.s32 $0x9C50, s5;
	s26 =	sadd.s32 $0xA120, s5;
	[dreg:$0x9] =	wrdreg s24  }
0x17: {  	s19 =	simm.s32 $0x5;
	s20 =	simm.s32 $0x6;
	[dreg:$0xa] =	wrdreg s25  }
0x18: {  	s22 =	simm.s32 $0x80;
	s23 =	simm.s32 $0x2780;
	[dreg:$0xb] =	wrdreg s26  }
0x19: {  	v0 =	vimm.f32 $0.0e+00;
	s24 =	simm.s32 $0x6900;
	s25 =	simm.s32 $0x2800;
	s26 =	simm.s32 $0x3  }
.LBB2_1:
0x1a: {  	[tilespmem:s4], [sflag:$0x1] =	stream.linear.gather [hbm4b:s5+s4], $0x2710, $0x38;
	[tilespmem:$0x1ED00] =	vst v63  }
0x1b: {  	s10 =	simm.s32 $0x0;
	s11 =	simm.s32 $0x200  }
.LBB2_2:
0x1c: {  	p0 =	sne.s32 s11, $0xFE00;
	[tilespmem:s10+$0x2970] =	vst v0  }
0x1d: {  	[tilespmem:s10+$0x2900] =	vst v0  }
0x1e: {  	[tilespmem:s10+$0x2910] =	vst v0  }
.Ltmp0:
0x1f: {  	[tilespmem:s10+$0x2920] =	vst v0;
	(pc) =	sbr.rel @p0 .LBB2_2-.Ltmp0, $4  }
0x20: {  	[tilespmem:s10+$0x2930] =	vst v0  }
0x21: {  	[tilespmem:s10+$0x2940] =	vst v0  }
0x22: {  	[tilespmem:s10+$0x2950] =	vst v0  }
0x23: {  	[tilespmem:s10+$0x2960] =	vst v0;
	s10 =	sshra.s32 s11, $0x2;
	s11 =	sadd.s32 $0x200, s11  }
0x24: {  	[tilespmem:s10+$0x2970] =	vst v0  }
0x25: {  	[tilespmem:s10+$0x2900] =	vst v0  }
0x26: {  	[tilespmem:s10+$0x2910] =	vst v0  }
0x27: {  	[tilespmem:s10+$0x2920] =	vst v0  }
0x28: {  	[tilespmem:s10+$0x2930] =	vst v0  }
0x29: {  	[tilespmem:s10+$0x2940] =	vst v0  }
0x2a: {  	[tilespmem:s10+$0x2950] =	vst v0  }
0x2b: {  	[tilespmem:s10+$0x2960] =	vst v0  }
0x2c: {  	[spmem:s6] =	stream.linear.scatter [tilespmem:s18], [sflag:$0x5], $0x4000, $0x38;
	[tilespmem:$0x1ED00] =	vst v63  }
0x2d: {  	s11 =	rddreg [dreg:$0x5]  }
0x2e: {  	[spmem:s11] =	stream.linear.scatter [tilespmem:s18], [sflag:$0x5], $0x4000, $0x38;
	[tilespmem:$0x1ED00] =	vst v63  }
0x2f: {  	s12 =	rddreg [dreg:$0x6]  }
0x30: {  	[spmem:s12] =	stream.linear.scatter [tilespmem:s18], [sflag:$0x5], $0x4000, $0x38;
	[tilespmem:$0x1ED00] =	vst v63  }
0x31: {  	s13 =	rddreg [dreg:$0x7]  }
0x32: {  	[spmem:s13] =	stream.linear.scatter [tilespmem:s18], [sflag:$0x5], $0x4000, $0x38;
	[tilespmem:$0x1ED00] =	vst v63  }
0x33: {  	s11 =	rddreg [dreg:$0x8]  }
0x34: {  	[spmem:s11] =	stream.linear.scatter [tilespmem:s18], [sflag:$0x6], $0x3C00, $0x38;
	[tilespmem:$0x1ED00] =	vst v63  }
0x35: {  	_ =	swait.ge [sflag:s19], $0x4000  }
0x36: {  	[sflag:s19] =	ssyncset.done $0x0  }
0x37: {  	[sflag:s19] =	ssyncadd.s32 $0xFFFFC000  }
0x38: {  	_ =	swait.ge [sflag:s19], $0x4000  }
0x39: {  	[sflag:s19] =	ssyncset.done $0x0  }
0x3a: {  	[sflag:s19] =	ssyncadd.s32 $0xFFFFC000  }
0x3b: {  	_ =	swait.ge [sflag:s19], $0x4000  }
0x3c: {  	[sflag:s19] =	ssyncset.done $0x0  }
0x3d: {  	[sflag:s19] =	ssyncadd.s32 $0xFFFFC000  }
0x3e: {  	_ =	swait.ge [sflag:s19], $0x4000  }
0x3f: {  	[sflag:s19] =	ssyncset.done $0x0  }
0x40: {  	[sflag:s19] =	ssyncadd.s32 $0xFFFFC000  }
0x41: {  	_ =	swait.ge [sflag:s20], $0x3C00  }
0x42: {  	[sflag:s20] =	ssyncset.done $0x0  }
0x43: {  	[sflag:s20] =	ssyncadd.s32 $0xFFFFC400  }
0x44: {  	_ =	swait.ge [sflag:s21], $0x2710  }
0x45: {  	[sflag:s21] =	ssyncset.done $0x0  }
0x46: {  	[sflag:s21] =	ssyncadd.s32 $0xFFFFD8F0  }
0x47: {  	s12 =	simm.s32 $0x0;
	[bflag:$0x0] =	sbarrier.arrive $0xFFFF  }
0x48: {  	[tilespmem:s18], [sflag:$0x1] =	stream.indirect.gather [hbm4b:s0+s22], $0x80, s12, s22, $0xb8;
	[tilespmem:$0x1ED00] =	vst v63  }
0x49: {  	s11 =	rddreg [dreg:$0x9]  }
0x4a: {  	[tilespmem:s23], [sflag:$0x3] =	stream.linear.gather [hbm4b:s11+s12], $0x80, $0x38;
	[tilespmem:$0x1ED00] =	vst v63  }
0x4b: {  	_ = 	snop  }
0x4c: {  	[tilespmem:s24], [sflag:$0x2] =	stream.indirect.gather [hbm4b:s0+s22], $0x80, s22, s22, $0xb8;
	[tilespmem:$0x1ED00] =	vst v63  }
0x4d: {  	s13 =	rddreg [dreg:$0xa]  }
0x4e: {  	[tilespmem:s25], [sflag:$0x4] =	stream.linear.gather [hbm4b:s13+s12], $0x80, $0x38;
	[tilespmem:$0x1ED00] =	vst v63  }
0x4f: {  	_ =	swait.ge [sflag:s21], $0x4000  }
0x50: {  	[sflag:s21] =	ssyncset.done $0x0  }
0x51: {  	[sflag:s21] =	ssyncadd.s32 $0xFFFFC000  }
0x52: {  	_ =	swait.ge [sflag:s26], $0x80  }
0x53: {  	[sflag:s26] =	ssyncset.done $0x0  }
0x54: {  	[sflag:s26] =	ssyncadd.s32 $0xFFFFFF80  }
0x55: {  	[spmem:s3] =	stream.indirect.scatter.add.f32 [tilespmem:s18], [sflag:$0x9], $0x80, s23, s22, $0xb8;
	[tilespmem:$0x1ED00] =	vst v63  }
0x56: {  	_ =	swait.ge [sflag:s28], $0x4000  }
0x57: {  	[sflag:s28] =	ssyncset.done $0x0  }
0x58: {  	s11 =	simm.s32 $0x100;
	[sflag:s28] =	ssyncadd.s32 $0xFFFFC000  }
0x59: {  	[tilespmem:s18], [sflag:$0x1] =	stream.indirect.gather [hbm4b:s0+s22], $0x80, s11, s22, $0xb8;
	[tilespmem:$0x1ED00] =	vst v63  }
0x5a: {  	s12 =	sadd.s32 $0x0, s17  }
0x5b: {  	[tilespmem:s23], [sflag:$0x3] =	stream.linear.gather [hbm4b:s12+s4], $0x80, $0x38;
	[tilespmem:$0x1ED00] =	vst v63  }
0x5c: {  	_ =	swait.ge [sflag:s29], $0x4000  }
0x5d: {  	[sflag:s29] =	ssyncset.done $0x0  }
0x5e: {  	[sflag:s29] =	ssyncadd.s32 $0xFFFFC000  }
0x5f: {  	_ =	swait.ge [sflag:s30], $0x80  }
0x60: {  	[sflag:s30] =	ssyncset.done $0x0  }
0x61: {  	[sflag:s30] =	ssyncadd.s32 $0xFFFFFF80  }
0x62: {  	[spmem:s3] =	stream.indirect.scatter.add.f32 [tilespmem:s24], [sflag:$0x9], $0x80, s25, s22, $0xb8;
	[tilespmem:$0x1ED00] =	vst v63  }
0x63: {  	_ =	swait.ge [sflag:s28], $0x4000  }
0x64: {  	s10 =	simm.s32 $0x20;
	s13 =	simm.s32 $0x180;
	[sflag:s28] =	ssyncset.done $0x0  }
0x65: {  	s11 =	simm.s32 $0x280;
	s12 =	sadd.s32 $0x0, s16;
	[sflag:s28] =	ssyncadd.s32 $0xFFFFC000  }
0x66: {  	[tilespmem:s24], [sflag:$0x2] =	stream.indirect.gather [hbm4b:s0+s22], $0x80, s13, s22, $0xb8;
	[tilespmem:$0x1ED00] =	vst v63  }
.LBB2_4:
0x67: {  	[tilespmem:s25], [sflag:$0x4] =	stream.linear.gather [hbm4b:s12+s4], $0x80, $0x38;
	[tilespmem:$0x1ED00] =	vst v63  }
0x68: {  	s12 =	smov.u32 s10  }
0x69: {  	p0 =	sne.s32 s10, $0x4A0;
	s10 =	sadd.s32 $0x20, s10;
	_ =	swait.ge [sflag:s21], $0x4000  }
0x6a: {  	[sflag:s21] =	ssyncset.done $0x0  }
0x6b: {  	[sflag:s21] =	ssyncadd.s32 $0xFFFFC000  }
0x6c: {  	_ =	swait.ge [sflag:s26], $0x80  }
0x6d: {  	[sflag:s26] =	ssyncset.done $0x0  }
0x6e: {  	[sflag:s26] =	ssyncadd.s32 $0xFFFFFF80  }
0x6f: {  	[spmem:s3] =	stream.indirect.scatter.add.f32 [tilespmem:s18], [sflag:$0x9], $0x80, s23, s22, $0xb8;
	[tilespmem:$0x1ED00] =	vst v63  }
0x70: {  	_ =	swait.ge [sflag:s28], $0x4000  }
0x71: {  	[sflag:s28] =	ssyncset.done $0x0  }
0x72: {  	s13 =	sadd.s32 $0xFFFFFF80, s11;
	[sflag:s28] =	ssyncadd.s32 $0xFFFFC000  }
0x73: {  	[tilespmem:s18], [sflag:$0x1] =	stream.indirect.gather [hbm4b:s0+s22], $0x80, s13, s22, $0xb8;
	[tilespmem:$0x1ED00] =	vst v63  }
0x74: {  	s13 =	sadd.s32 s12, s17  }
0x75: {  	[tilespmem:s23], [sflag:$0x3] =	stream.linear.gather [hbm4b:s13+s4], $0x80, $0x38;
	[tilespmem:$0x1ED00] =	vst v63  }
0x76: {  	_ =	swait.ge [sflag:s29], $0x4000  }
0x77: {  	[sflag:s29] =	ssyncset.done $0x0  }
0x78: {  	[sflag:s29] =	ssyncadd.s32 $0xFFFFC000  }
0x79: {  	_ =	swait.ge [sflag:s30], $0x80  }
0x7a: {  	[sflag:s30] =	ssyncset.done $0x0  }
0x7b: {  	[sflag:s30] =	ssyncadd.s32 $0xFFFFFF80  }
0x7c: {  	[spmem:s3] =	stream.indirect.scatter.add.f32 [tilespmem:s24], [sflag:$0x9], $0x80, s25, s22, $0xb8;
	[tilespmem:$0x1ED00] =	vst v63  }
.Ltmp1:
0x7d: {  	_ =	swait.ge [sflag:s28], $0x4000;
	(pc) =	sbr.rel @p0 .LBB2_4-.Ltmp1, $4  }
0x7e: {  	[sflag:s28] =	ssyncset.done $0x0  }
0x7f: {  	[sflag:s28] =	ssyncadd.s32 $0xFFFFC000  }
0x80: {  	[tilespmem:s24], [sflag:$0x2] =	stream.indirect.gather [hbm4b:s0+s22], $0x80, s11, s22, $0xb8;
	[tilespmem:$0x1ED00] =	vst v63  }
0x81: {  	s12 =	sadd.s32 s12, s16;
	s11 =	sadd.s32 $0x100, s11  }
0x82: {  	[tilespmem:s25], [sflag:$0x4] =	stream.linear.gather [hbm4b:s12+s4], $0x80, $0x38;
	[tilespmem:$0x1ED00] =	vst v63  }
0x83: {  	s10 =	simm.s32 $0x2700  }
0x84: {  	[tilespmem:s1], [sflag:$0x7] =	stream.indirect.gather [hbm4b:s0+s31], $0x80, s10, s31, $0xb8;
	[tilespmem:$0x1ED00] =	vst v63  }
0x85: {  	s12 =	rddreg [dreg:$0xb]  }
0x86: {  	[tilespmem:s2], [sflag:$0x8] =	stream.linear.gather [hbm4b:s12+s4], $0x10, $0x38;
	[tilespmem:$0x1ED00] =	vst v63  }
0x87: {  	_ =	swait.ge [sflag:s21], $0x4000  }
0x88: {  	[sflag:s21] =	ssyncset.done $0x0  }
0x89: {  	[sflag:s21] =	ssyncadd.s32 $0xFFFFC000  }
0x8a: {  	_ =	swait.ge [sflag:s26], $0x80  }
0x8b: {  	[sflag:s26] =	ssyncset.done $0x0  }
0x8c: {  	[sflag:s26] =	ssyncadd.s32 $0xFFFFFF80  }
0x8d: {  	[spmem:s3] =	stream.indirect.scatter.add.f32 [tilespmem:s18], [sflag:$0x9], $0x80, s23, s22, $0xb8;
	[tilespmem:$0x1ED00] =	vst v63  }
0x8e: {  	_ =	swait.ge [sflag:s28], $0x4000  }
0x8f: {  	[sflag:s28] =	ssyncset.done $0x0  }
0x90: {  	[sflag:s28] =	ssyncadd.s32 $0xFFFFC000  }
0x91: {  	_ =	swait.ge [sflag:s29], $0x4000  }
0x92: {  	[sflag:s29] =	ssyncset.done $0x0  }
0x93: {  	[sflag:s29] =	ssyncadd.s32 $0xFFFFC000  }
0x94: {  	_ =	swait.ge [sflag:s30], $0x80  }
0x95: {  	[sflag:s30] =	ssyncset.done $0x0  }
0x96: {  	[sflag:s30] =	ssyncadd.s32 $0xFFFFFF80  }
0x97: {  	[spmem:s3] =	stream.indirect.scatter.add.f32 [tilespmem:s24], [sflag:$0x9], $0x80, s25, s22, $0xb8;
	[tilespmem:$0x1ED00] =	vst v63  }
0x98: {  	_ =	swait.ge [sflag:s28], $0x4000  }
0x99: {  	[sflag:s28] =	ssyncset.done $0x0  }
0x9a: {  	[sflag:s28] =	ssyncadd.s32 $0xFFFFC000  }
0x9b: {  	_ =	swait.ge [sflag:s7], $0x800  }
0x9c: {  	[sflag:s7] =	ssyncset.done $0x0  }
0x9d: {  	[sflag:s7] =	ssyncadd.s32 $0xFFFFF800  }
0x9e: {  	_ =	swait.ge [sflag:s8], $0x10  }
0x9f: {  	[sflag:s8] =	ssyncset.done $0x0  }
0xa0: {  	[sflag:s8] =	ssyncadd.s32 $0xFFFFFFF0  }
0xa1: {  	[spmem:s3] =	stream.indirect.scatter.add.f32 [tilespmem:s1], [sflag:$0x9], $0x80, s2, s31, $0xb8;
	[tilespmem:$0x1ED00] =	vst v63  }
0xa2: {  	s13 =	stileid.u32;
	_ =	swait.ge [sflag:s28], $0x800  }
0xa3: {  	s11 =	sshrl.u32 s6, $0x3;
	s9 =	sadd.s32 $0x1, s9;
	[sflag:s28] =	ssyncset.done $0x0  }
0xa4: {  	p0 =	sne.s32 s9, s15;
	s10 =	sshll.u32 s13, $0x6;
	[sflag:s28] =	ssyncadd.s32 $0xFFFFF800  }
.Ltmp2:
0xa5: {  	s10 =	sor.u32 $0x1C09, s10;
	[bflag:$0x0] =	sbarrier.arrive $0xFFFF;
	(pc) =	sbr.rel @p0 .LBB2_1-.Ltmp2, $4  }
0xa6: {  	[hbm:s14], [sflag:s10] =	dma.local [spmem:s11], $0x2780  }
0xa7: {  	_ =	swait.ge [sflag:s28], $0x2780  }
0xa8: {  	[sflag:s28] =	ssyncset.done $0x0  }
0xa9: {  	[sflag:s28] =	ssyncadd.s32 $0xFFFFD880  }
0xaa: {  	_ =	sfence.sel $0x180000  }
0xab: {  	[bflag:$0x0] =	sbarrier.arrive $0xFFFF  }
0xac: {  	_ =	strace $0x90000047  }
0xad: {  	s0 =	stileid.u32;
	[bflag:$0x2] =	sbarrier.arrive $0xFFFF  }
0xae: {  	p0 =	sne.s32 s0, $0x0;
	s0 =	rddreg [dreg:$0x4]  }
0xaf: {  	s0 =	sadd.s32 @!p0 $0x100000, s0  }
0xb0: {  	[sflag:s0] =	ssyncadd.tile.s32 @!p0 $0x1;
	_ =	shalt  }
.Lfunc_end2:
_tile_overlayer_lowered:
.L_overlay_start_2:
0xb1: {  	(tag) =	ssettag $0x2  }
0xb2: {  	s0 =	rddreg [dreg:$0x0];
	s2 =	stileid.u32  }
0xb3: {  	s1 =	rddreg [dreg:$0x1];
	p0 =	sne.s32 s2, $0x0  }
0xb4: {  	s3 =	rddreg [dreg:$0x2];
	[bflag:$0x3] =	sbarrier.arrive $0xFFFF;
	s2 =	simm.s32 @!p0 $0x1C09  }
0xb5: {  	[timem:s3], [sflag:s2] =	dma.local @!p0 [hbm:s0], s1  }
0xb6: {  	s0 =	simm.s32 @!p0 $0x9  }
0xb7: {  	_ =	swait.ge @!p0 [sflag:s0], s1  }
0xb8: {  	s1 =	ssub.s32 @!p0 $0x0, s1;
	[sflag:s0] =	ssyncset.done @!p0 $0x0  }
0xb9: {  	[sflag:s0] =	ssyncadd.s32 @!p0 s1  }
0xba: {  	[bflag:$0x3] =	sbarrier.arrive $0xFFFF  }
0xbb: {  	_ =	shalt  }

</sc_bundles>
